<compile_context>
chip_gen: v7x
topology: tpu7x:2x2x1
jax: 0.10.2.dev20260603
libtpu: 0.0.44.dev20260713+nightly
codegen_flags: <defaults>
</compile_context>

<pallas_src>
import functools

import jax
import jax.numpy as jnp
from jax import lax
from jax.experimental import pallas as pl
from jax.experimental.pallas import tpu as pltpu
from jax.experimental.pallas import tpu_sc as plsc

N_NODES = 10000
N_EDGES = 320000
D_FEAT = 128
HIDDEN = 128
NUM_CLASSES = 10

NC = 2
NS = 16
CHUNK = 128
N_PAD = 10240
E_PAD = 327680
ROWS_PER_TILE = N_PAD // NS

_mesh = plsc.VectorSubcoreMesh(core_axis_name="c", subcore_axis_name="s")


def _deg_body(dst_hbm, zeros_hbm, ones_hbm, out_hbm, acc, idx_v, ones_v):
    c = lax.axis_index("c")
    s = lax.axis_index("s")
    r0 = s * ROWS_PER_TILE
    pltpu.sync_copy(zeros_hbm.at[pl.ds(r0, ROWS_PER_TILE)],
                    acc.at[pl.ds(r0, ROWS_PER_TILE)])
    pltpu.sync_copy(ones_hbm, ones_v)
    plsc.subcore_barrier()
    tile = s * NC + c
    n_chunks = E_PAD // (NC * NS) // CHUNK
    base0 = tile * (n_chunks * CHUNK)

    def step(i, carry):
        base = base0 + i * CHUNK
        pltpu.sync_copy(dst_hbm.at[pl.ds(base, CHUNK)], idx_v)
        pltpu.sync_copy(ones_v, acc.at[idx_v], add=True)
        return carry

    lax.fori_loop(0, n_chunks, step, 0)
    plsc.subcore_barrier()
    pltpu.sync_copy(acc.at[pl.ds(r0, ROWS_PER_TILE)],
                    out_hbm.at[c, pl.ds(r0, ROWS_PER_TILE)])


_deg_kernel = functools.partial(
    pl.kernel,
    out_type=jax.ShapeDtypeStruct((NC, N_PAD, 16), jnp.float32),
    mesh=_mesh,
    scratch_types=[
        pltpu.VMEM_SHARED((N_PAD, 16), jnp.float32),
        pltpu.VMEM((CHUNK,), jnp.int32),
        pltpu.VMEM((CHUNK, 16), jnp.float32),
    ],
)(_deg_body)


def _agg_body(src_hbm, dst_hbm, hp_hbm, zeros_hbm, out_hbm,
              acc, idxs_v, idxd_v, rows_v):
    c = lax.axis_index("c")
    s = lax.axis_index("s")
    r0 = s * ROWS_PER_TILE
    pltpu.sync_copy(zeros_hbm.at[pl.ds(r0, ROWS_PER_TILE)],
                    acc.at[pl.ds(r0, ROWS_PER_TILE)])
    plsc.subcore_barrier()
    tile = s * NC + c
    n_chunks = E_PAD // (NC * NS) // CHUNK
    base0 = tile * (n_chunks * CHUNK)

    def step(i, carry):
        base = base0 + i * CHUNK
        pltpu.sync_copy(src_hbm.at[pl.ds(base, CHUNK)], idxs_v)
        pltpu.sync_copy(dst_hbm.at[pl.ds(base, CHUNK)], idxd_v)
        pltpu.sync_copy(hp_hbm.at[idxs_v], rows_v)
        pltpu.sync_copy(rows_v, acc.at[idxd_v], add=True)
        return carry

    lax.fori_loop(0, n_chunks, step, 0)
    plsc.subcore_barrier()
    pltpu.sync_copy(acc.at[pl.ds(r0, ROWS_PER_TILE)],
                    out_hbm.at[c, pl.ds(r0, ROWS_PER_TILE)])


_agg_kernel = functools.partial(
    pl.kernel,
    out_type=jax.ShapeDtypeStruct((NC, N_PAD, D_FEAT), jnp.float32),
    mesh=_mesh,
    scratch_types=[
        pltpu.VMEM_SHARED((N_PAD, D_FEAT), jnp.float32),
        pltpu.VMEM((CHUNK,), jnp.int32),
        pltpu.VMEM((CHUNK,), jnp.int32),
        pltpu.VMEM((CHUNK, D_FEAT), jnp.float32),
    ],
)(_agg_body)


ROW_BLK = 400


def _hprime_body(x_ref, w_ref, deg_ref, hp_ref):
    d = deg_ref[0, :, 0:1] + deg_ref[1, :, 0:1] + 1.0
    dis = lax.rsqrt(d)
    h = jnp.dot(x_ref[...], w_ref[...], preferred_element_type=jnp.float32)
    hp_ref[...] = dis * h


def _hprime(x, w1, deg2):
    return pl.pallas_call(
        _hprime_body,
        grid=(N_NODES // ROW_BLK,),
        in_specs=[
            pl.BlockSpec((ROW_BLK, D_FEAT), lambda r: (r, 0)),
            pl.BlockSpec((D_FEAT, HIDDEN), lambda r: (0, 0)),
            pl.BlockSpec((NC, ROW_BLK, 16), lambda r: (0, r, 0)),
        ],
        out_specs=pl.BlockSpec((ROW_BLK, HIDDEN), lambda r: (r, 0)),
        out_shape=jax.ShapeDtypeStruct((N_NODES, HIDDEN), jnp.float32),
    )(x, w1, deg2)


NC_PAD = 128


def _head_body(acc_ref, hp_ref, deg_ref, b1_ref, wm1_ref, bm1_ref,
               wm2_ref, bm2_ref, wm3_ref, bm3_ref, out_ref):
    d = deg_ref[0, :, 0:1] + deg_ref[1, :, 0:1] + 1.0
    dis = lax.rsqrt(d)
    accf = acc_ref[0] + acc_ref[1]
    g = dis * (accf + hp_ref[...]) + b1_ref[...]
    h1 = jnp.maximum(g, 0.0)
    h2 = jnp.maximum(
        jnp.dot(h1, wm1_ref[...], preferred_element_type=jnp.float32)
        + bm1_ref[...], 0.0)
    h3 = jnp.maximum(
        jnp.dot(h2, wm2_ref[...], preferred_element_type=jnp.float32)
        + bm2_ref[...], 0.0)
    logits = (jnp.dot(h3, wm3_ref[...], preferred_element_type=jnp.float32)
              + bm3_ref[...])
    m = jnp.max(logits, axis=1, keepdims=True)
    lse = jnp.log(jnp.sum(jnp.exp(logits - m), axis=1, keepdims=True)) + m
    out_ref[...] = logits - lse


def _head(acc2, hp, deg2, b1, wm1, bm1, wm2, bm2, wm3p, bm3p):
    full = lambda shape: pl.BlockSpec(shape, lambda r: tuple(0 for _ in shape))
    return pl.pallas_call(
        _head_body,
        grid=(N_NODES // ROW_BLK,),
        in_specs=[
            pl.BlockSpec((NC, ROW_BLK, D_FEAT), lambda r: (0, r, 0)),
            pl.BlockSpec((ROW_BLK, HIDDEN), lambda r: (r, 0)),
            pl.BlockSpec((NC, ROW_BLK, 16), lambda r: (0, r, 0)),
            full((1, HIDDEN)),
            full((HIDDEN, HIDDEN // 2)),
            full((1, HIDDEN // 2)),
            full((HIDDEN // 2, HIDDEN // 4)),
            full((1, HIDDEN // 4)),
            full((HIDDEN // 4, NC_PAD)),
            full((1, NC_PAD)),
        ],
        out_specs=pl.BlockSpec((ROW_BLK, NC_PAD), lambda r: (r, 0)),
        out_shape=jax.ShapeDtypeStruct((N_NODES, NC_PAD), jnp.float32),
    )(acc2, hp, deg2, b1, wm1, bm1, wm2, bm2, wm3p, bm3p)


@jax.jit
def kernel(x, edge_index, W1, b1, Wm1, bm1, Wm2, bm2, Wm3, bm3):
    src = edge_index[0]
    dst = edge_index[1]
    pad = E_PAD - N_EDGES
    src_p = jnp.concatenate([src, jnp.zeros((pad,), jnp.int32)])
    dst_p = jnp.concatenate([dst, jnp.full((pad,), N_NODES, jnp.int32)])

    zeros16 = jnp.zeros((N_PAD, 16), jnp.float32)
    ones16 = jnp.ones((CHUNK, 16), jnp.float32)
    zeros128 = jnp.zeros((N_PAD, D_FEAT), jnp.float32)

    deg2 = _deg_kernel(dst_p, zeros16, ones16)
    hp = _hprime(x, W1, deg2)
    acc2 = _agg_kernel(src_p, dst_p, hp, zeros128)

    wm3p = jnp.zeros((HIDDEN // 4, NC_PAD), jnp.float32).at[:, :NUM_CLASSES].set(Wm3)
    bm3p = jnp.full((NC_PAD,), -1e30, jnp.float32).at[:NUM_CLASSES].set(bm3)

    out = _head(acc2, hp, deg2,
                b1.reshape(1, -1), Wm1, bm1.reshape(1, -1),
                Wm2, bm2.reshape(1, -1), wm3p, bm3p.reshape(1, -1))
    return out[:, :NUM_CLASSES]

# --- scband reference (transcript-rebuilt; emitter-appended) ---
"""Pipeline reference for scband-gcn1-35545149342390 (READ-ONLY COPY).

The authoritative reference and input builder live on the scoring server;
editing this copy changes nothing except your own understanding.
"""

import jax, jax.numpy as jnp
import numpy as np

N_NODES = 10000
N_EDGES = 320000
D_FEAT = 128
HIDDEN = 128
NUM_CLASSES = 10


def setup_inputs(seed: int = 0) -> dict:
    key = jax.random.key(seed)
    ks = jax.random.split(key, 10)
    x = jax.random.normal(ks[0], (N_NODES, D_FEAT), dtype=jnp.float32)
    edge_index = jax.random.randint(ks[1], (2, N_EDGES), 0, N_NODES, dtype=jnp.int32)
    # GCNConv weight/bias
    W1 = jax.random.normal(ks[2], (D_FEAT, HIDDEN), dtype=jnp.float32) * 0.05
    b1 = jnp.zeros((HIDDEN,), dtype=jnp.float32)
    # MLP: HIDDEN -> HIDDEN//2 -> HIDDEN//4 -> NUM_CLASSES
    Wm1 = jax.random.normal(ks[3], (HIDDEN, HIDDEN // 2), dtype=jnp.float32) * 0.05
    bm1 = jnp.zeros((HIDDEN // 2,), dtype=jnp.float32)
    Wm2 = jax.random.normal(ks[4], (HIDDEN // 2, HIDDEN // 4), dtype=jnp.float32) * 0.05
    bm2 = jnp.zeros((HIDDEN // 4,), dtype=jnp.float32)
    Wm3 = jax.random.normal(ks[5], (HIDDEN // 4, NUM_CLASSES), dtype=jnp.float32) * 0.05
    bm3 = jnp.zeros((NUM_CLASSES,), dtype=jnp.float32)
    return {"x": x, "edge_index": edge_index, "W1": W1, "b1": b1,
            "Wm1": Wm1, "bm1": bm1, "Wm2": Wm2, "bm2": bm2, "Wm3": Wm3, "bm3": bm3}


def _gcn_conv(x, edge_index, W, b):
    N = x.shape[0]
    src = edge_index[0]
    dst = edge_index[1]
    # add self loops (PyG GCNConv default)
    loop = jnp.arange(N, dtype=src.dtype)
    src = jnp.concatenate([src, loop])
    dst = jnp.concatenate([dst, loop])
    # symmetric normalization D^-1/2 (A+I) D^-1/2
    deg = jnp.zeros((N,), dtype=x.dtype).at[dst].add(1.0)
    dis = jnp.where(deg > 0, jax.lax.rsqrt(jnp.maximum(deg, 1e-12)), 0.0)
    norm = dis[src] * dis[dst]
    h = x @ W
    msg = h[src] * norm[:, None]
    out = jnp.zeros((N, W.shape[1]), dtype=x.dtype).at[dst].add(msg)
    return out + b


def reference(x, edge_index, W1, b1, Wm1, bm1, Wm2, bm2, Wm3, bm3):
    h = jax.nn.relu(_gcn_conv(x, edge_index, W1, b1))
    # F.dropout(training=self.training) -> identity in eval mode
    h = jax.nn.relu(h @ Wm1 + bm1)
    h = jax.nn.relu(h @ Wm2 + bm2)
    h = h @ Wm3 + bm3
    return jax.nn.log_softmax(h, axis=1)

if __name__ == "__main__":
    import jax
    _d = setup_inputs()
    print(jax.jit(kernel)(*tuple(_d.values())))

</pallas_src>

<mosaic_0001>
#map = affine_map<(d0, d1) -> (0)>
#map1 = affine_map<(d0, d1) -> (0, 0)>
#map2 = affine_map<(d0, d1) -> (0, 0, 0)>
module attributes {stable_mosaic.version = 14 : i64} {
  func.func @_deg_body(%arg0: i32, %arg1: i32, %arg2: memref<327680xi32, #tpu.memory_space<hbm>>, %arg3: memref<10240x16xf32, #tpu.memory_space<hbm>>, %arg4: memref<128x16xf32, #tpu.memory_space<hbm>>, %arg5: memref<2x10240x16xf32, #tpu.memory_space<hbm>>, %arg6: memref<10240x16xf32, #tpu.memory_space<vmem_shared>>, %arg7: memref<128xi32, #tpu.memory_space<vmem>>, %arg8: memref<128x16xf32, #tpu.memory_space<vmem>>) attributes {dimension_semantics = [#tpu.dimension_semantics<core_parallel>, #tpu.dimension_semantics<subcore_parallel>], iteration_bounds = array<i64: 2, 16>, scalar_prefetch = 0 : i64, scratch_operands = 3 : i64, tpu.core_type = #tpu.core_type<sc_vector_subcore>, window_params = [{transform_indices = #map}, {transform_indices = #map1}, {transform_indices = #map1}, {transform_indices = #map2}]} {
    %mul3A = arith.constant 640 : i32
    %mul3A_0 = arith.muli %arg1, %mul3A : i32
    "tpu.region"() ({
      %run_scoped3A = tpu.sem_alloc : memref<!tpu.dma_semaphore, #tpu.memory_space<semaphore_mem>>
      %dma_start3A = arith.constant 0 : i32
      %dma_start3A_11 = tpu.memref_slice %arg6[%mul3A_0, %dma_start3A] : memref<10240x16xf32, #tpu.memory_space<vmem_shared>> -> memref<640x16xf32, #tpu.memory_space<vmem_shared>>
      %dma_start3A_12 = arith.constant 0 : i32
      %dma_start3A_13 = tpu.memref_slice %arg3[%mul3A_0, %dma_start3A_12] : memref<10240x16xf32, #tpu.memory_space<hbm>> -> memref<640x16xf32, #tpu.memory_space<hbm>>
      tpu.enqueue_dma source(%dma_start3A_13 : memref<640x16xf32, #tpu.memory_space<hbm>>) target(%dma_start3A_11 : memref<640x16xf32, #tpu.memory_space<vmem_shared>>) target_semaphore(%run_scoped3A : memref<!tpu.dma_semaphore, #tpu.memory_space<semaphore_mem>>)
      %dma_wait3A = arith.constant 0 : i32
      %dma_wait3A_14 = tpu.memref_slice %arg6[%mul3A_0, %dma_wait3A] : memref<10240x16xf32, #tpu.memory_space<vmem_shared>> -> memref<640x16xf32, #tpu.memory_space<vmem_shared>>
      %dma_wait3A_15 = arith.constant 0 : i32
      %dma_wait3A_16 = tpu.memref_slice %arg3[%mul3A_0, %dma_wait3A_15] : memref<10240x16xf32, #tpu.memory_space<hbm>> -> memref<640x16xf32, #tpu.memory_space<hbm>>
      tpu.wait_dma2 semaphore(%run_scoped3A : memref<!tpu.dma_semaphore, #tpu.memory_space<semaphore_mem>>) src(%dma_wait3A_16 : memref<640x16xf32, #tpu.memory_space<hbm>>) dst(%dma_wait3A_14 : memref<640x16xf32, #tpu.memory_space<vmem_shared>>)
      tpu.yield
    }) : () -> ()
    "tpu.region"() ({
      %run_scoped3A = tpu.sem_alloc : memref<!tpu.dma_semaphore, #tpu.memory_space<semaphore_mem>>
      tpu.enqueue_dma source(%arg4 : memref<128x16xf32, #tpu.memory_space<hbm>>) target(%arg8 : memref<128x16xf32, #tpu.memory_space<vmem>>) target_semaphore(%run_scoped3A : memref<!tpu.dma_semaphore, #tpu.memory_space<semaphore_mem>>)
      tpu.wait_dma2 semaphore(%run_scoped3A : memref<!tpu.dma_semaphore, #tpu.memory_space<semaphore_mem>>) src(%arg4 : memref<128x16xf32, #tpu.memory_space<hbm>>) dst(%arg8 : memref<128x16xf32, #tpu.memory_space<vmem>>)
      tpu.yield
    }) : () -> ()
    %barrier3A = arith.constant 0 : index
    tpu.barrier barrier_id(%barrier3A)
    %mul3A_1 = arith.constant 2 : i32
    %mul3A_2 = arith.muli %arg1, %mul3A_1 : i32
    %add3A = arith.addi %mul3A_2, %arg0 : i32
    %mul3A_3 = arith.constant 10240 : i32
    %mul3A_4 = arith.muli %add3A, %mul3A_3 : i32
    %scan3A = arith.constant 0 : i32
    %scan3A_5 = arith.constant 0 : i32
    %scan3A_6 = arith.constant 80 : i32
    %scan3A_7 = arith.addi %scan3A_5, %scan3A_6 : i32
    %scan3A_8 = arith.constant 1 : i32
    scf.for %scan3A_11 = %scan3A_5 to %scan3A_7 step %scan3A_8  : i32 {
      %mul3A_12 = arith.constant 128 : i32
      %mul3A_13 = arith.muli %scan3A_11, %mul3A_12 : i32
      %add3A_14 = arith.addi %mul3A_4, %mul3A_13 : i32
      "tpu.region"() ({
        %run_scoped3A = tpu.sem_alloc : memref<!tpu.dma_semaphore, #tpu.memory_space<semaphore_mem>>
        %dma_start3A = tpu.memref_slice %arg2[%add3A_14] : memref<327680xi32, #tpu.memory_space<hbm>> -> memref<128xi32, #tpu.memory_space<hbm>>
        %dma_start3A_15 = tpu.memref_slice %arg2[%add3A_14] : memref<327680xi32, #tpu.memory_space<hbm>> -> memref<128xi32, #tpu.memory_space<hbm>>
        tpu.enqueue_dma source(%dma_start3A_15 : memref<128xi32, #tpu.memory_space<hbm>>) target(%arg7 : memref<128xi32, #tpu.memory_space<vmem>>) target_semaphore(%run_scoped3A : memref<!tpu.dma_semaphore, #tpu.memory_space<semaphore_mem>>)
        %dma_wait3A = tpu.memref_slice %arg2[%add3A_14] : memref<327680xi32, #tpu.memory_space<hbm>> -> memref<128xi32, #tpu.memory_space<hbm>>
        %dma_wait3A_16 = tpu.memref_slice %arg2[%add3A_14] : memref<327680xi32, #tpu.memory_space<hbm>> -> memref<128xi32, #tpu.memory_space<hbm>>
        tpu.wait_dma2 semaphore(%run_scoped3A : memref<!tpu.dma_semaphore, #tpu.memory_space<semaphore_mem>>) src(%dma_wait3A_16 : memref<128xi32, #tpu.memory_space<hbm>>) dst(%arg7 : memref<128xi32, #tpu.memory_space<vmem>>)
        tpu.yield
      }) : () -> ()
      "tpu.region"() ({
        %run_scoped3A = tpu.sem_alloc : memref<!tpu.dma_semaphore, #tpu.memory_space<semaphore_mem>>
        %dma_start3A = arith.constant 0 : i32
        %dma_start3A_15 = arith.constant 0 : i32
        %dma_start3A_16 = tpu.memref_slice %arg6[%dma_start3A, %dma_start3A_15] : memref<10240x16xf32, #tpu.memory_space<vmem_shared>> -> memref<10240x16xf32, #tpu.memory_space<vmem_shared>>
        tpu.enqueue_indirect_dma source(%arg8 : memref<128x16xf32, #tpu.memory_space<vmem>>) target(%dma_start3A_16 : memref<10240x16xf32, #tpu.memory_space<vmem_shared>>) offsets(%arg7 : memref<128xi32, #tpu.memory_space<vmem>>) semaphore(%run_scoped3A : memref<!tpu.dma_semaphore, #tpu.memory_space<semaphore_mem>>) {add = true}
        %dma_wait3A = arith.constant 0 : i32
        %dma_wait3A_17 = arith.constant 0 : i32
        %dma_wait3A_18 = tpu.memref_slice %arg6[%dma_wait3A, %dma_wait3A_17] : memref<10240x16xf32, #tpu.memory_space<vmem_shared>> -> memref<10240x16xf32, #tpu.memory_space<vmem_shared>>
        tpu.wait_indirect_dma semaphore(%run_scoped3A : memref<!tpu.dma_semaphore, #tpu.memory_space<semaphore_mem>>) src(%arg8 : memref<128x16xf32, #tpu.memory_space<vmem>>) dst(%dma_wait3A_18 : memref<10240x16xf32, #tpu.memory_space<vmem_shared>>)
        tpu.yield
      }) : () -> ()
    }
    %scan3A_9 = arith.constant 80 : i32
    %barrier3A_10 = arith.constant 0 : index
    tpu.barrier barrier_id(%barrier3A_10)
    "tpu.region"() ({
      %run_scoped3A = tpu.sem_alloc : memref<!tpu.dma_semaphore, #tpu.memory_space<semaphore_mem>>
      %dma_start3A = arith.constant 0 : i32
      %dma_start3A_11 = tpu.memref_slice %arg5[%arg0, %mul3A_0, %dma_start3A] : memref<2x10240x16xf32, #tpu.memory_space<hbm>> -> memref<1x640x16xf32, #tpu.memory_space<hbm>>
      %dma_start3A_12 = tpu.memref_squeeze %dma_start3A_11 : memref<1x640x16xf32, #tpu.memory_space<hbm>> -> memref<640x16xf32, #tpu.memory_space<hbm>>
      %dma_start3A_13 = arith.constant 0 : i32
      %dma_start3A_14 = tpu.memref_slice %arg6[%mul3A_0, %dma_start3A_13] : memref<10240x16xf32, #tpu.memory_space<vmem_shared>> -> memref<640x16xf32, #tpu.memory_space<vmem_shared>>
      tpu.enqueue_dma source(%dma_start3A_14 : memref<640x16xf32, #tpu.memory_space<vmem_shared>>) target(%dma_start3A_12 : memref<640x16xf32, #tpu.memory_space<hbm>>) target_semaphore(%run_scoped3A : memref<!tpu.dma_semaphore, #tpu.memory_space<semaphore_mem>>)
      %dma_wait3A = arith.constant 0 : i32
      %dma_wait3A_15 = tpu.memref_slice %arg5[%arg0, %mul3A_0, %dma_wait3A] : memref<2x10240x16xf32, #tpu.memory_space<hbm>> -> memref<1x640x16xf32, #tpu.memory_space<hbm>>
      %dma_wait3A_16 = tpu.memref_squeeze %dma_wait3A_15 : memref<1x640x16xf32, #tpu.memory_space<hbm>> -> memref<640x16xf32, #tpu.memory_space<hbm>>
      %dma_wait3A_17 = arith.constant 0 : i32
      %dma_wait3A_18 = tpu.memref_slice %arg6[%mul3A_0, %dma_wait3A_17] : memref<10240x16xf32, #tpu.memory_space<vmem_shared>> -> memref<640x16xf32, #tpu.memory_space<vmem_shared>>
      tpu.wait_dma2 semaphore(%run_scoped3A : memref<!tpu.dma_semaphore, #tpu.memory_space<semaphore_mem>>) src(%dma_wait3A_18 : memref<640x16xf32, #tpu.memory_space<vmem_shared>>) dst(%dma_wait3A_16 : memref<640x16xf32, #tpu.memory_space<hbm>>)
      tpu.yield
    }) : () -> ()
    return
  }
}

#map = affine_map<(d0, d1) -> (0)>
#map1 = affine_map<(d0, d1) -> (0, 0)>
#map2 = affine_map<(d0, d1) -> (0, 0, 0)>
module attributes {stable_mosaic.version = 14 : i64} {
  func.func @_agg_body(%arg0: i32, %arg1: i32, %arg2: memref<327680xi32, #tpu.memory_space<hbm>>, %arg3: memref<327680xi32, #tpu.memory_space<hbm>>, %arg4: memref<10000x128xf32, #tpu.memory_space<hbm>>, %arg5: memref<10240x128xf32, #tpu.memory_space<hbm>>, %arg6: memref<2x10240x128xf32, #tpu.memory_space<hbm>>, %arg7: memref<10240x128xf32, #tpu.memory_space<vmem_shared>>, %arg8: memref<128xi32, #tpu.memory_space<vmem>>, %arg9: memref<128xi32, #tpu.memory_space<vmem>>, %arg10: memref<128x128xf32, #tpu.memory_space<vmem>>) attributes {dimension_semantics = [#tpu.dimension_semantics<core_parallel>, #tpu.dimension_semantics<subcore_parallel>], iteration_bounds = array<i64: 2, 16>, scalar_prefetch = 0 : i64, scratch_operands = 4 : i64, tpu.core_type = #tpu.core_type<sc_vector_subcore>, window_params = [{transform_indices = #map}, {transform_indices = #map}, {transform_indices = #map1}, {transform_indices = #map1}, {transform_indices = #map2}]} {
    %mul3A = arith.constant 640 : i32
    %mul3A_0 = arith.muli %arg1, %mul3A : i32
    "tpu.region"() ({
      %run_scoped3A = tpu.sem_alloc : memref<!tpu.dma_semaphore, #tpu.memory_space<semaphore_mem>>
      %dma_start3A = arith.constant 0 : i32
      %dma_start3A_11 = tpu.memref_slice %arg7[%mul3A_0, %dma_start3A] : memref<10240x128xf32, #tpu.memory_space<vmem_shared>> -> memref<640x128xf32, #tpu.memory_space<vmem_shared>>
      %dma_start3A_12 = arith.constant 0 : i32
      %dma_start3A_13 = tpu.memref_slice %arg5[%mul3A_0, %dma_start3A_12] : memref<10240x128xf32, #tpu.memory_space<hbm>> -> memref<640x128xf32, #tpu.memory_space<hbm>>
      tpu.enqueue_dma source(%dma_start3A_13 : memref<640x128xf32, #tpu.memory_space<hbm>>) target(%dma_start3A_11 : memref<640x128xf32, #tpu.memory_space<vmem_shared>>) target_semaphore(%run_scoped3A : memref<!tpu.dma_semaphore, #tpu.memory_space<semaphore_mem>>)
      %dma_wait3A = arith.constant 0 : i32
      %dma_wait3A_14 = tpu.memref_slice %arg7[%mul3A_0, %dma_wait3A] : memref<10240x128xf32, #tpu.memory_space<vmem_shared>> -> memref<640x128xf32, #tpu.memory_space<vmem_shared>>
      %dma_wait3A_15 = arith.constant 0 : i32
      %dma_wait3A_16 = tpu.memref_slice %arg5[%mul3A_0, %dma_wait3A_15] : memref<10240x128xf32, #tpu.memory_space<hbm>> -> memref<640x128xf32, #tpu.memory_space<hbm>>
      tpu.wait_dma2 semaphore(%run_scoped3A : memref<!tpu.dma_semaphore, #tpu.memory_space<semaphore_mem>>) src(%dma_wait3A_16 : memref<640x128xf32, #tpu.memory_space<hbm>>) dst(%dma_wait3A_14 : memref<640x128xf32, #tpu.memory_space<vmem_shared>>)
      tpu.yield
    }) : () -> ()
    %barrier3A = arith.constant 0 : index
    tpu.barrier barrier_id(%barrier3A)
    %mul3A_1 = arith.constant 2 : i32
    %mul3A_2 = arith.muli %arg1, %mul3A_1 : i32
    %add3A = arith.addi %mul3A_2, %arg0 : i32
    %mul3A_3 = arith.constant 10240 : i32
    %mul3A_4 = arith.muli %add3A, %mul3A_3 : i32
    %scan3A = arith.constant 0 : i32
    %scan3A_5 = arith.constant 0 : i32
    %scan3A_6 = arith.constant 80 : i32
    %scan3A_7 = arith.addi %scan3A_5, %scan3A_6 : i32
    %scan3A_8 = arith.constant 1 : i32
    scf.for %scan3A_11 = %scan3A_5 to %scan3A_7 step %scan3A_8  : i32 {
      %mul3A_12 = arith.constant 128 : i32
      %mul3A_13 = arith.muli %scan3A_11, %mul3A_12 : i32
      %add3A_14 = arith.addi %mul3A_4, %mul3A_13 : i32
      "tpu.region"() ({
        %run_scoped3A = tpu.sem_alloc : memref<!tpu.dma_semaphore, #tpu.memory_space<semaphore_mem>>
        %dma_start3A = tpu.memref_slice %arg2[%add3A_14] : memref<327680xi32, #tpu.memory_space<hbm>> -> memref<128xi32, #tpu.memory_space<hbm>>
        %dma_start3A_15 = tpu.memref_slice %arg2[%add3A_14] : memref<327680xi32, #tpu.memory_space<hbm>> -> memref<128xi32, #tpu.memory_space<hbm>>
        tpu.enqueue_dma source(%dma_start3A_15 : memref<128xi32, #tpu.memory_space<hbm>>) target(%arg8 : memref<128xi32, #tpu.memory_space<vmem>>) target_semaphore(%run_scoped3A : memref<!tpu.dma_semaphore, #tpu.memory_space<semaphore_mem>>)
        %dma_wait3A = tpu.memref_slice %arg2[%add3A_14] : memref<327680xi32, #tpu.memory_space<hbm>> -> memref<128xi32, #tpu.memory_space<hbm>>
        %dma_wait3A_16 = tpu.memref_slice %arg2[%add3A_14] : memref<327680xi32, #tpu.memory_space<hbm>> -> memref<128xi32, #tpu.memory_space<hbm>>
        tpu.wait_dma2 semaphore(%run_scoped3A : memref<!tpu.dma_semaphore, #tpu.memory_space<semaphore_mem>>) src(%dma_wait3A_16 : memref<128xi32, #tpu.memory_space<hbm>>) dst(%arg8 : memref<128xi32, #tpu.memory_space<vmem>>)
        tpu.yield
      }) : () -> ()
      "tpu.region"() ({
        %run_scoped3A = tpu.sem_alloc : memref<!tpu.dma_semaphore, #tpu.memory_space<semaphore_mem>>
        %dma_start3A = tpu.memref_slice %arg3[%add3A_14] : memref<327680xi32, #tpu.memory_space<hbm>> -> memref<128xi32, #tpu.memory_space<hbm>>
        %dma_start3A_15 = tpu.memref_slice %arg3[%add3A_14] : memref<327680xi32, #tpu.memory_space<hbm>> -> memref<128xi32, #tpu.memory_space<hbm>>
        tpu.enqueue_dma source(%dma_start3A_15 : memref<128xi32, #tpu.memory_space<hbm>>) target(%arg9 : memref<128xi32, #tpu.memory_space<vmem>>) target_semaphore(%run_scoped3A : memref<!tpu.dma_semaphore, #tpu.memory_space<semaphore_mem>>)
        %dma_wait3A = tpu.memref_slice %arg3[%add3A_14] : memref<327680xi32, #tpu.memory_space<hbm>> -> memref<128xi32, #tpu.memory_space<hbm>>
        %dma_wait3A_16 = tpu.memref_slice %arg3[%add3A_14] : memref<327680xi32, #tpu.memory_space<hbm>> -> memref<128xi32, #tpu.memory_space<hbm>>
        tpu.wait_dma2 semaphore(%run_scoped3A : memref<!tpu.dma_semaphore, #tpu.memory_space<semaphore_mem>>) src(%dma_wait3A_16 : memref<128xi32, #tpu.memory_space<hbm>>) dst(%arg9 : memref<128xi32, #tpu.memory_space<vmem>>)
        tpu.yield
      }) : () -> ()
      "tpu.region"() ({
        %run_scoped3A = tpu.sem_alloc : memref<!tpu.dma_semaphore, #tpu.memory_space<semaphore_mem>>
        %dma_start3A = arith.constant 0 : i32
        %dma_start3A_15 = arith.constant 0 : i32
        %dma_start3A_16 = tpu.memref_slice %arg4[%dma_start3A, %dma_start3A_15] : memref<10000x128xf32, #tpu.memory_space<hbm>> -> memref<10000x128xf32, #tpu.memory_space<hbm>>
        tpu.enqueue_indirect_dma source(%dma_start3A_16 : memref<10000x128xf32, #tpu.memory_space<hbm>>) target(%arg10 : memref<128x128xf32, #tpu.memory_space<vmem>>) offsets(%arg8 : memref<128xi32, #tpu.memory_space<vmem>>) semaphore(%run_scoped3A : memref<!tpu.dma_semaphore, #tpu.memory_space<semaphore_mem>>)
        %dma_wait3A = arith.constant 0 : i32
        %dma_wait3A_17 = arith.constant 0 : i32
        %dma_wait3A_18 = tpu.memref_slice %arg4[%dma_wait3A, %dma_wait3A_17] : memref<10000x128xf32, #tpu.memory_space<hbm>> -> memref<10000x128xf32, #tpu.memory_space<hbm>>
        tpu.wait_indirect_dma semaphore(%run_scoped3A : memref<!tpu.dma_semaphore, #tpu.memory_space<semaphore_mem>>) src(%dma_wait3A_18 : memref<10000x128xf32, #tpu.memory_space<hbm>>) dst(%arg10 : memref<128x128xf32, #tpu.memory_space<vmem>>)
        tpu.yield
      }) : () -> ()
      "tpu.region"() ({
        %run_scoped3A = tpu.sem_alloc : memref<!tpu.dma_semaphore, #tpu.memory_space<semaphore_mem>>
        %dma_start3A = arith.constant 0 : i32
        %dma_start3A_15 = arith.constant 0 : i32
        %dma_start3A_16 = tpu.memref_slice %arg7[%dma_start3A, %dma_start3A_15] : memref<10240x128xf32, #tpu.memory_space<vmem_shared>> -> memref<10240x128xf32, #tpu.memory_space<vmem_shared>>
        tpu.enqueue_indirect_dma source(%arg10 : memref<128x128xf32, #tpu.memory_space<vmem>>) target(%dma_start3A_16 : memref<10240x128xf32, #tpu.memory_space<vmem_shared>>) offsets(%arg9 : memref<128xi32, #tpu.memory_space<vmem>>) semaphore(%run_scoped3A : memref<!tpu.dma_semaphore, #tpu.memory_space<semaphore_mem>>) {add = true}
        %dma_wait3A = arith.constant 0 : i32
        %dma_wait3A_17 = arith.constant 0 : i32
        %dma_wait3A_18 = tpu.memref_slice %arg7[%dma_wait3A, %dma_wait3A_17] : memref<10240x128xf32, #tpu.memory_space<vmem_shared>> -> memref<10240x128xf32, #tpu.memory_space<vmem_shared>>
        tpu.wait_indirect_dma semaphore(%run_scoped3A : memref<!tpu.dma_semaphore, #tpu.memory_space<semaphore_mem>>) src(%arg10 : memref<128x128xf32, #tpu.memory_space<vmem>>) dst(%dma_wait3A_18 : memref<10240x128xf32, #tpu.memory_space<vmem_shared>>)
        tpu.yield
      }) : () -> ()
    }
    %scan3A_9 = arith.constant 80 : i32
    %barrier3A_10 = arith.constant 0 : index
    tpu.barrier barrier_id(%barrier3A_10)
    "tpu.region"() ({
      %run_scoped3A = tpu.sem_alloc : memref<!tpu.dma_semaphore, #tpu.memory_space<semaphore_mem>>
      %dma_start3A = arith.constant 0 : i32
      %dma_start3A_11 = tpu.memref_slice %arg6[%arg0, %mul3A_0, %dma_start3A] : memref<2x10240x128xf32, #tpu.memory_space<hbm>> -> memref<1x640x128xf32, #tpu.memory_space<hbm>>
      %dma_start3A_12 = tpu.memref_squeeze %dma_start3A_11 : memref<1x640x128xf32, #tpu.memory_space<hbm>> -> memref<640x128xf32, #tpu.memory_space<hbm>>
      %dma_start3A_13 = arith.constant 0 : i32
      %dma_start3A_14 = tpu.memref_slice %arg7[%mul3A_0, %dma_start3A_13] : memref<10240x128xf32, #tpu.memory_space<vmem_shared>> -> memref<640x128xf32, #tpu.memory_space<vmem_shared>>
      tpu.enqueue_dma source(%dma_start3A_14 : memref<640x128xf32, #tpu.memory_space<vmem_shared>>) target(%dma_start3A_12 : memref<640x128xf32, #tpu.memory_space<hbm>>) target_semaphore(%run_scoped3A : memref<!tpu.dma_semaphore, #tpu.memory_space<semaphore_mem>>)
      %dma_wait3A = arith.constant 0 : i32
      %dma_wait3A_15 = tpu.memref_slice %arg6[%arg0, %mul3A_0, %dma_wait3A] : memref<2x10240x128xf32, #tpu.memory_space<hbm>> -> memref<1x640x128xf32, #tpu.memory_space<hbm>>
      %dma_wait3A_16 = tpu.memref_squeeze %dma_wait3A_15 : memref<1x640x128xf32, #tpu.memory_space<hbm>> -> memref<640x128xf32, #tpu.memory_space<hbm>>
      %dma_wait3A_17 = arith.constant 0 : i32
      %dma_wait3A_18 = tpu.memref_slice %arg7[%mul3A_0, %dma_wait3A_17] : memref<10240x128xf32, #tpu.memory_space<vmem_shared>> -> memref<640x128xf32, #tpu.memory_space<vmem_shared>>
      tpu.wait_dma2 semaphore(%run_scoped3A : memref<!tpu.dma_semaphore, #tpu.memory_space<semaphore_mem>>) src(%dma_wait3A_18 : memref<640x128xf32, #tpu.memory_space<vmem_shared>>) dst(%dma_wait3A_16 : memref<640x128xf32, #tpu.memory_space<hbm>>)
      tpu.yield
    }) : () -> ()
    return
  }
}

module attributes {stable_mosaic.version = 14 : i64} {
  func.func @_hprime_body(%arg0: i32, %arg1: memref<400x128xf32, #tpu.memory_space<vmem>>, %arg2: memref<128x128xf32, #tpu.memory_space<vmem>>, %arg3: memref<2x400x16xf32, #tpu.memory_space<vmem>>, %arg4: memref<400x128xf32, #tpu.memory_space<vmem>>) attributes {dimension_semantics = [#tpu.dimension_semantics<arbitrary>], iteration_bounds = array<i64: 25>, scalar_prefetch = 0 : i64, scratch_operands = 0 : i64, tpu.core_type = #tpu.core_type<tc>, window_params = [{transform_indices = @transform_0, window_bounds = array<i64: 400, 128>}, {pipeline_mode = #tpu.pipeline_mode<synchronous>, transform_indices = @transform_1, window_bounds = array<i64: 128, 128>}, {transform_indices = @transform_2, window_bounds = array<i64: 2, 400, 16>}, {transform_indices = @transform_3, window_bounds = array<i64: 400, 128>}]} {
    %get3A = arith.constant 0 : index
    %get3A_0 = arith.constant 0 : index
    %get3A_1 = arith.constant 0 : index
    %get3A_2 = vector.load %arg3[%get3A, %get3A_0, %get3A_1] : memref<2x400x16xf32, #tpu.memory_space<vmem>>, vector<1x400x1xf32>
    %get3A_3 = vector.shape_cast %get3A_2 : vector<1x400x1xf32> to vector<400x1xf32>
    %get3A_4 = arith.constant 1 : index
    %get3A_5 = arith.constant 0 : index
    %get3A_6 = arith.constant 0 : index
    %get3A_7 = vector.load %arg3[%get3A_4, %get3A_5, %get3A_6] : memref<2x400x16xf32, #tpu.memory_space<vmem>>, vector<1x400x1xf32>
    %get3A_8 = vector.shape_cast %get3A_7 : vector<1x400x1xf32> to vector<400x1xf32>
    %add3A = arith.addf %get3A_3, %get3A_8 : vector<400x1xf32>
    %add3A_9 = arith.constant 1.000000e+00 : f32
    %add3A_10 = vector.broadcast %add3A_9 : f32 to vector<400x1xf32>
    %add3A_11 = arith.addf %add3A, %add3A_10 : vector<400x1xf32>
    %rsqrt3A = math.rsqrt %add3A_11 : vector<400x1xf32>
    %get3A_12 = arith.constant 0 : index
    %get3A_13 = arith.constant 0 : index
    %get3A_14 = vector.load %arg1[%get3A_12, %get3A_13] : memref<400x128xf32, #tpu.memory_space<vmem>>, vector<400x128xf32>
    %get3A_15 = arith.constant 0 : index
    %get3A_16 = arith.constant 0 : index
    %get3A_17 = vector.load %arg2[%get3A_15, %get3A_16] : memref<128x128xf32, #tpu.memory_space<vmem>>, vector<128x128xf32>
    %dot_general3A = arith.constant dense<0.000000e+00> : vector<400x128xf32>
    %dot_general3A_18 = tpu.matmul %get3A_14, %get3A_17, %dot_general3A {dimension_numbers = #tpu.dot_dimension_numbers<[1], [0], [0], [1], [0, 0, 1, 1], [], []>, transpose_lhs_hint = false} : vector<400x128xf32>, vector<128x128xf32>, vector<400x128xf32> -> vector<400x128xf32>
    %mul3A = vector.broadcast %rsqrt3A : vector<400x1xf32> to vector<400x128xf32>
    %mul3A_19 = arith.mulf %mul3A, %dot_general3A_18 : vector<400x128xf32>
    %swap3A = arith.constant 0 : index
    %swap3A_20 = arith.constant 0 : index
    %swap3A_21 = vector.load %arg4[%swap3A, %swap3A_20] : memref<400x128xf32, #tpu.memory_space<vmem>>, vector<400x128xf32>
    tpu.vector_store %arg4[%swap3A, %swap3A_20], %mul3A_19 {strides = array<i32>} : memref<400x128xf32, #tpu.memory_space<vmem>>, vector<400x128xf32>,
    return
  }
  func.func @transform_0(%arg0: i32) -> (i32, i32) {
    %c0_i32 = arith.constant 0 : i32
    %c0_i32_0 = arith.constant 0 : i32
    return %arg0, %c0_i32 : i32, i32
  }
  func.func @transform_1(%arg0: i32) -> (i32, i32) {
    %c0_i32 = arith.constant 0 : i32
    %c0_i32_0 = arith.constant 0 : i32
    %c0_i32_1 = arith.constant 0 : i32
    return %c0_i32, %c0_i32_0 : i32, i32
  }
  func.func @transform_2(%arg0: i32) -> (i32, i32, i32) {
    %c0_i32 = arith.constant 0 : i32
    %c0_i32_0 = arith.constant 0 : i32
    %c0_i32_1 = arith.constant 0 : i32
    return %c0_i32, %arg0, %c0_i32_0 : i32, i32, i32
  }
  func.func @transform_3(%arg0: i32) -> (i32, i32) {
    %c0_i32 = arith.constant 0 : i32
    %c0_i32_0 = arith.constant 0 : i32
    return %arg0, %c0_i32 : i32, i32
  }
}

module attributes {stable_mosaic.version = 14 : i64} {
  func.func @_head_body(%arg0: i32, %arg1: memref<2x400x128xf32, #tpu.memory_space<vmem>>, %arg2: memref<400x128xf32, #tpu.memory_space<vmem>>, %arg3: memref<2x400x16xf32, #tpu.memory_space<vmem>>, %arg4: memref<1x128xf32, #tpu.memory_space<vmem>>, %arg5: memref<128x64xf32, #tpu.memory_space<vmem>>, %arg6: memref<1x64xf32, #tpu.memory_space<vmem>>, %arg7: memref<64x32xf32, #tpu.memory_space<vmem>>, %arg8: memref<1x32xf32, #tpu.memory_space<vmem>>, %arg9: memref<32x128xf32, #tpu.memory_space<vmem>>, %arg10: memref<1x128xf32, #tpu.memory_space<vmem>>, %arg11: memref<400x128xf32, #tpu.memory_space<vmem>>) attributes {dimension_semantics = [#tpu.dimension_semantics<arbitrary>], iteration_bounds = array<i64: 25>, scalar_prefetch = 0 : i64, scratch_operands = 0 : i64, tpu.core_type = #tpu.core_type<tc>, window_params = [{transform_indices = @transform_0, window_bounds = array<i64: 2, 400, 128>}, {transform_indices = @transform_1, window_bounds = array<i64: 400, 128>}, {transform_indices = @transform_2, window_bounds = array<i64: 2, 400, 16>}, {pipeline_mode = #tpu.pipeline_mode<synchronous>, transform_indices = @transform_3, window_bounds = array<i64: 1, 128>}, {pipeline_mode = #tpu.pipeline_mode<synchronous>, transform_indices = @transform_4, window_bounds = array<i64: 128, 64>}, {pipeline_mode = #tpu.pipeline_mode<synchronous>, transform_indices = @transform_5, window_bounds = array<i64: 1, 64>}, {pipeline_mode = #tpu.pipeline_mode<synchronous>, transform_indices = @transform_6, window_bounds = array<i64: 64, 32>}, {pipeline_mode = #tpu.pipeline_mode<synchronous>, transform_indices = @transform_7, window_bounds = array<i64: 1, 32>}, {pipeline_mode = #tpu.pipeline_mode<synchronous>, transform_indices = @transform_8, window_bounds = array<i64: 32, 128>}, {pipeline_mode = #tpu.pipeline_mode<synchronous>, transform_indices = @transform_9, window_bounds = array<i64: 1, 128>}, {transform_indices = @transform_10, window_bounds = array<i64: 400, 128>}]} {
    %get3A = arith.constant 0 : index
    %get3A_0 = arith.constant 0 : index
    %get3A_1 = arith.constant 0 : index
    %get3A_2 = vector.load %arg3[%get3A, %get3A_0, %get3A_1] : memref<2x400x16xf32, #tpu.memory_space<vmem>>, vector<1x400x1xf32>
    %get3A_3 = vector.shape_cast %get3A_2 : vector<1x400x1xf32> to vector<400x1xf32>
    %get3A_4 = arith.constant 1 : index
    %get3A_5 = arith.constant 0 : index
    %get3A_6 = arith.constant 0 : index
    %get3A_7 = vector.load %arg3[%get3A_4, %get3A_5, %get3A_6] : memref<2x400x16xf32, #tpu.memory_space<vmem>>, vector<1x400x1xf32>
    %get3A_8 = vector.shape_cast %get3A_7 : vector<1x400x1xf32> to vector<400x1xf32>
    %add3A = arith.addf %get3A_3, %get3A_8 : vector<400x1xf32>
    %add3A_9 = arith.constant 1.000000e+00 : f32
    %add3A_10 = vector.broadcast %add3A_9 : f32 to vector<400x1xf32>
    %add3A_11 = arith.addf %add3A, %add3A_10 : vector<400x1xf32>
    %rsqrt3A = math.rsqrt %add3A_11 : vector<400x1xf32>
    %get3A_12 = arith.constant 0 : index
    %get3A_13 = arith.constant 0 : index
    %get3A_14 = arith.constant 0 : index
    %get3A_15 = vector.load %arg1[%get3A_12, %get3A_13, %get3A_14] : memref<2x400x128xf32, #tpu.memory_space<vmem>>, vector<1x400x128xf32>
    %get3A_16 = vector.shape_cast %get3A_15 : vector<1x400x128xf32> to vector<400x128xf32>
    %get3A_17 = arith.constant 1 : index
    %get3A_18 = arith.constant 0 : index
    %get3A_19 = arith.constant 0 : index
    %get3A_20 = vector.load %arg1[%get3A_17, %get3A_18, %get3A_19] : memref<2x400x128xf32, #tpu.memory_space<vmem>>, vector<1x400x128xf32>
    %get3A_21 = vector.shape_cast %get3A_20 : vector<1x400x128xf32> to vector<400x128xf32>
    %add3A_22 = arith.addf %get3A_16, %get3A_21 : vector<400x128xf32>
    %get3A_23 = arith.constant 0 : index
    %get3A_24 = arith.constant 0 : index
    %get3A_25 = vector.load %arg2[%get3A_23, %get3A_24] : memref<400x128xf32, #tpu.memory_space<vmem>>, vector<400x128xf32>
    %add3A_26 = arith.addf %add3A_22, %get3A_25 : vector<400x128xf32>
    %mul3A = vector.broadcast %rsqrt3A : vector<400x1xf32> to vector<400x128xf32>
    %mul3A_27 = arith.mulf %mul3A, %add3A_26 : vector<400x128xf32>
    %get3A_28 = arith.constant 0 : index
    %get3A_29 = arith.constant 0 : index
    %get3A_30 = vector.load %arg4[%get3A_28, %get3A_29] : memref<1x128xf32, #tpu.memory_space<vmem>>, vector<1x128xf32>
    %add3A_31 = vector.broadcast %get3A_30 : vector<1x128xf32> to vector<400x128xf32>
    %add3A_32 = arith.addf %mul3A_27, %add3A_31 : vector<400x128xf32>
    %max3A = arith.constant 0.000000e+00 : f32
    %max3A_33 = vector.broadcast %max3A : f32 to vector<400x128xf32>
    %max3A_34 = arith.maximumf %add3A_32, %max3A_33 : vector<400x128xf32>
    %get3A_35 = arith.constant 0 : index
    %get3A_36 = arith.constant 0 : index
    %get3A_37 = vector.load %arg5[%get3A_35, %get3A_36] : memref<128x64xf32, #tpu.memory_space<vmem>>, vector<128x64xf32>
    %dot_general3A = arith.constant dense<0.000000e+00> : vector<400x64xf32>
    %dot_general3A_38 = tpu.matmul %max3A_34, %get3A_37, %dot_general3A {dimension_numbers = #tpu.dot_dimension_numbers<[1], [0], [0], [1], [0, 0, 1, 1], [], []>, transpose_lhs_hint = false} : vector<400x128xf32>, vector<128x64xf32>, vector<400x64xf32> -> vector<400x64xf32>
    %get3A_39 = arith.constant 0 : index
    %get3A_40 = arith.constant 0 : index
    %get3A_41 = vector.load %arg6[%get3A_39, %get3A_40] : memref<1x64xf32, #tpu.memory_space<vmem>>, vector<1x64xf32>
    %add3A_42 = vector.broadcast %get3A_41 : vector<1x64xf32> to vector<400x64xf32>
    %add3A_43 = arith.addf %dot_general3A_38, %add3A_42 : vector<400x64xf32>
    %max3A_44 = arith.constant 0.000000e+00 : f32
    %max3A_45 = vector.broadcast %max3A_44 : f32 to vector<400x64xf32>
    %max3A_46 = arith.maximumf %add3A_43, %max3A_45 : vector<400x64xf32>
    %get3A_47 = arith.constant 0 : index
    %get3A_48 = arith.constant 0 : index
    %get3A_49 = vector.load %arg7[%get3A_47, %get3A_48] : memref<64x32xf32, #tpu.memory_space<vmem>>, vector<64x32xf32>
    %dot_general3A_50 = arith.constant dense<0.000000e+00> : vector<400x32xf32>
    %dot_general3A_51 = tpu.matmul %max3A_46, %get3A_49, %dot_general3A_50 {dimension_numbers = #tpu.dot_dimension_numbers<[1], [0], [0], [1], [0, 0, 1, 1], [], []>, transpose_lhs_hint = false} : vector<400x64xf32>, vector<64x32xf32>, vector<400x32xf32> -> vector<400x32xf32>
    %get3A_52 = arith.constant 0 : index
    %get3A_53 = arith.constant 0 : index
    %get3A_54 = vector.load %arg8[%get3A_52, %get3A_53] : memref<1x32xf32, #tpu.memory_space<vmem>>, vector<1x32xf32>
    %add3A_55 = vector.broadcast %get3A_54 : vector<1x32xf32> to vector<400x32xf32>
    %add3A_56 = arith.addf %dot_general3A_51, %add3A_55 : vector<400x32xf32>
    %max3A_57 = arith.constant 0.000000e+00 : f32
    %max3A_58 = vector.broadcast %max3A_57 : f32 to vector<400x32xf32>
    %max3A_59 = arith.maximumf %add3A_56, %max3A_58 : vector<400x32xf32>
    %get3A_60 = arith.constant 0 : index
    %get3A_61 = arith.constant 0 : index
    %get3A_62 = vector.load %arg9[%get3A_60, %get3A_61] : memref<32x128xf32, #tpu.memory_space<vmem>>, vector<32x128xf32>
    %dot_general3A_63 = arith.constant dense<0.000000e+00> : vector<400x128xf32>
    %dot_general3A_64 = tpu.matmul %max3A_59, %get3A_62, %dot_general3A_63 {dimension_numbers = #tpu.dot_dimension_numbers<[1], [0], [0], [1], [0, 0, 1, 1], [], []>, transpose_lhs_hint = false} : vector<400x32xf32>, vector<32x128xf32>, vector<400x128xf32> -> vector<400x128xf32>
    %get3A_65 = arith.constant 0 : index
    %get3A_66 = arith.constant 0 : index
    %get3A_67 = vector.load %arg10[%get3A_65, %get3A_66] : memref<1x128xf32, #tpu.memory_space<vmem>>, vector<1x128xf32>
    %add3A_68 = vector.broadcast %get3A_67 : vector<1x128xf32> to vector<400x128xf32>
    %add3A_69 = arith.addf %dot_general3A_64, %add3A_68 : vector<400x128xf32>
    %reduce_max3A = arith.constant dense<0xFF800000> : vector<400xf32>
    %reduce_max3A_70 = vector.multi_reduction <maximumf>, %add3A_69, %reduce_max3A [1] : vector<400x128xf32> to vector<400xf32>
    %broadcast_in_dim3A = vector.shape_cast %reduce_max3A_70 : vector<400xf32> to vector<400x1xf32>
    %sub3A = vector.broadcast %broadcast_in_dim3A : vector<400x1xf32> to vector<400x128xf32>
    %sub3A_71 = arith.subf %add3A_69, %sub3A : vector<400x128xf32>
    %exp3A = math.exp %sub3A_71 : vector<400x128xf32>
    %reduce_sum3A = arith.constant dense<0.000000e+00> : vector<400xf32>
    %reduce_sum3A_72 = vector.multi_reduction <add>, %exp3A, %reduce_sum3A [1] : vector<400x128xf32> to vector<400xf32>
    %broadcast_in_dim3A_73 = vector.shape_cast %reduce_sum3A_72 : vector<400xf32> to vector<400x1xf32>
    %log3A = math.log %broadcast_in_dim3A_73 : vector<400x1xf32>
    %add3A_74 = arith.addf %log3A, %broadcast_in_dim3A : vector<400x1xf32>
    %sub3A_75 = vector.broadcast %add3A_74 : vector<400x1xf32> to vector<400x128xf32>
    %sub3A_76 = arith.subf %add3A_69, %sub3A_75 : vector<400x128xf32>
    %swap3A = arith.constant 0 : index
    %swap3A_77 = arith.constant 0 : index
    %swap3A_78 = vector.load %arg11[%swap3A, %swap3A_77] : memref<400x128xf32, #tpu.memory_space<vmem>>, vector<400x128xf32>
    tpu.vector_store %arg11[%swap3A, %swap3A_77], %sub3A_76 {strides = array<i32>} : memref<400x128xf32, #tpu.memory_space<vmem>>, vector<400x128xf32>,
    return
  }
  func.func @transform_0(%arg0: i32) -> (i32, i32, i32) {
    %c0_i32 = arith.constant 0 : i32
    %c0_i32_0 = arith.constant 0 : i32
    %c0_i32_1 = arith.constant 0 : i32
    return %c0_i32, %arg0, %c0_i32_0 : i32, i32, i32
  }
  func.func @transform_1(%arg0: i32) -> (i32, i32) {
    %c0_i32 = arith.constant 0 : i32
    %c0_i32_0 = arith.constant 0 : i32
    return %arg0, %c0_i32 : i32, i32
  }
  func.func @transform_2(%arg0: i32) -> (i32, i32, i32) {
    %c0_i32 = arith.constant 0 : i32
    %c0_i32_0 = arith.constant 0 : i32
    %c0_i32_1 = arith.constant 0 : i32
    return %c0_i32, %arg0, %c0_i32_0 : i32, i32, i32
  }
  func.func @transform_3(%arg0: i32) -> (i32, i32) {
    %c0_i32 = arith.constant 0 : i32
    %c0_i32_0 = arith.constant 0 : i32
    %c0_i32_1 = arith.constant 0 : i32
    return %c0_i32, %c0_i32_0 : i32, i32
  }
  func.func @transform_4(%arg0: i32) -> (i32, i32) {
    %c0_i32 = arith.constant 0 : i32
    %c0_i32_0 = arith.constant 0 : i32
    %c0_i32_1 = arith.constant 0 : i32
    return %c0_i32, %c0_i32_0 : i32, i32
  }
  func.func @transform_5(%arg0: i32) -> (i32, i32) {
    %c0_i32 = arith.constant 0 : i32
    %c0_i32_0 = arith.constant 0 : i32
    %c0_i32_1 = arith.constant 0 : i32
    return %c0_i32, %c0_i32_0 : i32, i32
  }
  func.func @transform_6(%arg0: i32) -> (i32, i32) {
    %c0_i32 = arith.constant 0 : i32
    %c0_i32_0 = arith.constant 0 : i32
    %c0_i32_1 = arith.constant 0 : i32
    return %c0_i32, %c0_i32_0 : i32, i32
  }
  func.func @transform_7(%arg0: i32) -> (i32, i32) {
    %c0_i32 = arith.constant 0 : i32
    %c0_i32_0 = arith.constant 0 : i32
    %c0_i32_1 = arith.constant 0 : i32
    return %c0_i32, %c0_i32_0 : i32, i32
  }
  func.func @transform_8(%arg0: i32) -> (i32, i32) {
    %c0_i32 = arith.constant 0 : i32
    %c0_i32_0 = arith.constant 0 : i32
    %c0_i32_1 = arith.constant 0 : i32
    return %c0_i32, %c0_i32_0 : i32, i32
  }
  func.func @transform_9(%arg0: i32) -> (i32, i32) {
    %c0_i32 = arith.constant 0 : i32
    %c0_i32_0 = arith.constant 0 : i32
    %c0_i32_1 = arith.constant 0 : i32
    return %c0_i32, %c0_i32_0 : i32, i32
  }
  func.func @transform_10(%arg0: i32) -> (i32, i32) {
    %c0_i32 = arith.constant 0 : i32
    %c0_i32_0 = arith.constant 0 : i32
    return %arg0, %c0_i32 : i32, i32
  }
}

</mosaic_0001>

<sc_bundles>
// kernel: kernel.6.cloned.1.call-start
scs
__scs_entry_jumppad:
0x0: {  	(pc) =	sbr.rel $0x88, $3  }
0x1: {  	(tag) =	ssettag $0x0;
	lr =	simm.s32 $0x1  }
0x2: {  	[smem:$0x3F97] =	sst lr;
	_ =	strace $0xD0000000  }
0x3: {  	_ = 	snop  }
0x4: {  	_ = 	snop  }
0x5: {  	_ = 	snop  }
0x6: {  	_ = 	snop  }
0x7: {  	_ = 	snop  }
__scs_overlays_trampoline_lowered:
0x8: {  	[smem:$0x3FA6] =	sst s0  }
0x9: {  	[smem:$0x3FA7] =	sst s1  }
0xa: {  	[smem:$0x3FA8] =	sst s2  }
0xb: {  	[smem:$0x3FA9] =	sst s3  }
0xc: {  	[smem:$0x3FAA] =	sst s4  }
0xd: {  	[smem:$0x3FAB] =	sst s5  }
0xe: {  	[smem:$0x3FAC] =	sst s6  }
0xf: {  	[smem:$0x3FAD] =	sst s7  }
0x10: {  	[smem:$0x3FAE] =	sst s8  }
0x11: {  	[smem:$0x3FAF] =	sst s9;
	s0 =	simm.s32 @!p0 $0x0  }
0x12: {  	s1 =	sld [smem:$0x3F95];
	s0 =	simm.s32 @p0 $0x1  }
0x13: {  	[smem:$0x3FB0] =	sst s0;
	s0 =	simm.s32 @!p1 $0x0  }
0x14: {  	s2 =	sld [smem:$0x3F94];
	s0 =	simm.s32 @p1 $0x1  }
0x15: {  	[smem:$0x3FB1] =	sst s0;
	s0 =	simm.s32 @!p2 $0x0  }
0x16: {  	s3 =	sld [smem:$0x3FDB];
	s0 =	simm.s32 @p2 $0x1  }
0x17: {  	s4 =	simm.s32 $0x1BF5;
	[smem:$0x3FB3] =	sst s0  }
0x18: {  	s0 =	sld [smem:$0x3F96];
	_ =	swait.ge [sflag:s4], $0x0  }
0x19: {  	s7 =	sld [smem:$0x3F97]  }
0x1a: {  	s8 =	sadd.s32 $0xFFFFE003, lr  }
0x1b: {  	s9 =	sadd.s32 $0xFFFFFEF7, lr;
	s5 =	simm.s32 $0xFFFFFFFF;
	p2 =	slt.u32 s8, $0xFFFFF086  }
0x1c: {  	p1 =	slt.u32 s9, $0xF7A;
	s5 =	simm.s32 @!p2 $0x0  }
0x1d: {  	s5 =	simm.s32 @p1 $0x1;
	p0 =	seq.s32 s7, s2  }
0x1e: {  	s7 =	smul.u32 @!p0 $0xF7A, s2;
	p2 =	seq.s32 @!p0 s5, $0x0  }
0x1f: {  	s9 =	smul.u32 $0xF7A, s1;
	s8 =	simm.s32 @!p0 $0x1BF5;
	p2 =	por !p2, p0  }
0x20: {  	[sflag:s8] =	ssyncset.s32 @!p0 $0xFFFFF086;
	s6 =	sadd.s32 @!p0 s3, s7;
	s7 =	simm.s32 @!p0 $0x108  }
0x21: {  	s3 =	sadd.s32 s3, s9;
	s6 =	sadd.s32 @!p0 $0x88, s6;
	s7 =	simm.s32 @p2 $0x1082  }
0x22: {  	[simem:s7], [sflag:s8] =	dma.local @!p0 [hbm:s6], $0xF7A  }
0x23: {  	s9 =	sor.u32 $0xD0000000, s2;
	s6 =	simm.s32 $0x108;
	_ =	swait.ge @!p0 [sflag:s8], $0x0  }
0x24: {  	s3 =	sadd.s32 $0x88, s3;
	s6 =	simm.s32 @!p1 $0x1082;
	[sflag:s4] =	ssyncset.s32 $0xFFFFF086  }
0x25: {  	[simem:s6], [sflag:s4] =	dma.local [hbm:s3], $0xF7A  }
0x26: {  	[smem:$0x3F97] =	sst s1;
	(tag) =	ssettag s2;
	_ =	strace s9  }
0x27: {  	s1 =	sld [smem:$0x3FA7]  }
0x28: {  	s2 =	sld [smem:$0x3FA8]  }
0x29: {  	s4 =	sld [smem:$0x3FAA]  }
0x2a: {  	p0 =	seq.s32 s5, $0x0;
	s5 =	sld [smem:$0x3FAB]  }
0x2b: {  	s6 =	sld [smem:$0x3FAC]  }
0x2c: {  	s7 =	sld [smem:$0x3FAD]  }
0x2d: {  	s3 =	simm.s32 $0x108;
	s8 =	sld [smem:$0x3FAE]  }
0x2e: {  	s3 =	simm.s32 @!p0 $0x1082;
	s9 =	sld [smem:$0x3FAF]  }
0x2f: {  	lr =	sadd.s32 s0, s3;
	s0 =	sld [smem:$0x3FA6]  }
0x30: {  	s3 =	sld [smem:$0x3FA9]  }
0x31: {  	[smem:$0x3FB2] =	sst s10  }
0x32: {  	s10 =	sld [smem:$0x3FB0];
	_ =	sdelay $0x3  }
0x33: {  	p0 =	seq.s32 s10, $0x1;
	s10 =	sld [smem:$0x3FB2];
	_ =	sdelay $0x3  }
0x34: {  	[smem:$0x3FB2] =	sst s10  }
0x35: {  	s10 =	sld [smem:$0x3FB1];
	_ =	sdelay $0x3  }
0x36: {  	p1 =	seq.s32 s10, $0x1;
	s10 =	sld [smem:$0x3FB2];
	_ =	sdelay $0x3  }
0x37: {  	[smem:$0x3FB2] =	sst s10  }
0x38: {  	s10 =	sld [smem:$0x3FB3]  }
0x39: {  	_ = 	snop;
	(pc) =	sbr.ind lr, $3  }
0x3a: {  	_ = 	snop  }
0x3b: {  	_ = 	snop  }
0x3c: {  	p2 =	seq.s32 s10, $0x1;
	s10 =	sld [smem:$0x3FB2]  }
0x3d: {  	_ =	shalt  }
0x3e: {  	_ =	shalt  }
0x3f: {  	_ =	shalt  }
0x40: {  	_ =	shalt  }
0x41: {  	_ =	shalt  }
0x42: {  	_ =	shalt  }
0x43: {  	_ =	shalt  }
0x44: {  	_ =	shalt  }
0x45: {  	_ =	shalt  }
0x46: {  	_ =	shalt  }
0x47: {  	_ =	shalt  }
0x48: {  	_ =	shalt  }
0x49: {  	_ =	shalt  }
0x4a: {  	_ =	shalt  }
0x4b: {  	_ =	shalt  }
0x4c: {  	_ =	shalt  }
0x4d: {  	_ =	shalt  }
0x4e: {  	_ =	shalt  }
0x4f: {  	_ =	shalt  }
0x50: {  	_ =	shalt  }
0x51: {  	_ =	shalt  }
0x52: {  	_ =	shalt  }
0x53: {  	_ =	shalt  }
0x54: {  	_ =	shalt  }
0x55: {  	_ =	shalt  }
0x56: {  	_ =	shalt  }
0x57: {  	_ =	shalt  }
0x58: {  	_ =	shalt  }
0x59: {  	_ =	shalt  }
0x5a: {  	_ =	shalt  }
0x5b: {  	_ =	shalt  }
0x5c: {  	_ =	shalt  }
0x5d: {  	_ =	shalt  }
0x5e: {  	_ =	shalt  }
0x5f: {  	_ =	shalt  }
0x60: {  	_ =	shalt  }
0x61: {  	_ =	shalt  }
0x62: {  	_ =	shalt  }
0x63: {  	_ =	shalt  }
0x64: {  	_ =	shalt  }
0x65: {  	_ =	shalt  }
0x66: {  	_ =	shalt  }
0x67: {  	_ =	shalt  }
0x68: {  	_ =	shalt  }
0x69: {  	_ =	shalt  }
0x6a: {  	_ =	shalt  }
0x6b: {  	_ =	shalt  }
0x6c: {  	_ =	shalt  }
0x6d: {  	_ =	shalt  }
0x6e: {  	_ =	shalt  }
0x6f: {  	_ =	shalt  }
0x70: {  	_ =	shalt  }
0x71: {  	_ =	shalt  }
0x72: {  	_ =	shalt  }
0x73: {  	_ =	shalt  }
0x74: {  	_ =	shalt  }
0x75: {  	_ =	shalt  }
0x76: {  	_ =	shalt  }
0x77: {  	_ =	shalt  }
0x78: {  	_ =	shalt  }
0x79: {  	_ =	shalt  }
0x7a: {  	_ =	shalt  }
0x7b: {  	_ =	shalt  }
0x7c: {  	_ =	shalt  }
0x7d: {  	_ =	shalt  }
0x7e: {  	_ =	shalt  }
0x7f: {  	_ =	shalt  }
0x80: {  	_ =	shalt  }
0x81: {  	_ =	shalt  }
0x82: {  	_ =	shalt  }
0x83: {  	_ =	shalt  }
0x84: {  	_ =	shalt  }
0x85: {  	_ =	shalt  }
0x86: {  	_ =	shalt  }
0x87: {  	_ =	shalt  }
.Lfunc_end0:
.L_simem_size_0:
called_computation_lowered:
.L_overlay_start_0:
0x88: {  	s2 =	sld [smem:$0x3FD9]  }
0x89: {  	s3 =	sld [smem:$0x3FFE];
	_ =	sdelay $0x1  }
0x8a: {  	s1 =	srdreg.scid  }
0x8b: {  	s0 =	sand.u32 $0x1, s1  }
0x8c: {  	s17 =	sshll.u32 s0, $0xA;
	s2 =	sadd.s32 s3, s2  }
0x8d: {  	s2 =	sadd.s32 s2, s17  }
0x8e: {  	[smem:$0x3FBE] =	sst s2  }
0x8f: {  	_ = 	snop  }
0x90: {  	s2 =	sld [smem:$0x3FD0];
	(tm) =	ssettm $0x1  }
0x91: {  	s18 =	sld [smem:$0x3FFB];
	_ =	sdelay $0x3  }
0x92: {  	_ =	strace s18  }
0x93: {  	s3 =	sld [smem:$0x3FFC];
	_ =	sdelay $0x3  }
0x94: {  	_ =	strace s3  }
0x95: {  	s3 =	sld [smem:$0x3FFD];
	_ =	sdelay $0x3  }
0x96: {  	_ =	strace s3  }
0x97: {  	_ =	strace $0x8FFFFFFF  }
0x98: {  	s19 =	sld [smem:$0x3FDB];
	_ =	sdelay $0x1  }
0x99: {  	s4 =	simm.s32 $_scs_section_size  }
0x9a: {  	s5 =	simm.s32 $_size__tile_overlayer_lowered;
	s6 =	simm.s32 $_tile_overlayer_lowered  }
0x9b: {  	s22 =	simm.s32 $0x1BFF;
	s21 =	sshll.u32 s6, $0x1;
	s3 =	sadd.s32 s4, s19  }
0x9c: {  	s7 =	simm.s32 $0x0;
	s20 =	sshll.u32 s5, $0x1;
	s5 =	sadd.s32 s21, s3  }
0x9d: {  	[timem:s7], [sflag:s22] =	dma.local [hbm:s5], s20  }
0x9e: {  	_ =	swait.ge [sflag:s22], s20  }
0x9f: {  	s4 =	ssub.s32 $0x0, s20;
	[sflag:s22] =	ssyncset.done $0x0  }
0xa0: {  	[sflag:s22] =	ssyncadd.s32 s4;
	_ =	sdelay $0x1  }
0xa1: {  	s23 =	simm.s32 $0x1B8B  }
0xa2: {  	_ =	swait.ge [sflag:s23], $0x1  }
0xa3: {  	[sflag:s23] =	ssyncset.done $0x0  }
0xa4: {  	s25 =	simm.s32 $0x1B8E;
	s24 =	sld [smem:$0x3FFE];
	[sflag:s23] =	ssyncadd.s32 $0xFFFFFFFF  }
0xa5: {  	s26 =	simm.s32 $execute0_lowered;
	[smem:$0x3FD2] =	sst s25  }
0xa6: {  	s5 =	sshll.u32 s26, $0x1;
	_ =	strace $0x80000046;
	[dreg:$0x1] =	wrdreg $0xFFFFFFFF  }
0xa7: {  	s28 =	simm.s32 $_size_execute0_lowered;
	s3 =	sadd.s32 s3, s5;
	[dreg:$0x0] =	wrdreg $0x0  }
0xa8: {  	s5 =	sshll.u32 s28, $0x1;
	[dreg:$0x2] =	wrdreg s3  }
0xa9: {  	[dreg:$0x3] =	wrdreg s5  }
0xaa: {  	[dreg:$0x4] =	wrdreg $0xC0  }
0xab: {  	_ =	task [dreg:s7], $0x5FFFF  }
0xac: {  	[dreg:$0x1] =	wrdreg $0xFFFFFFFF  }
0xad: {  	[dreg:$0x0] =	wrdreg $0x60  }
0xae: {  	[dreg:$0x2] =	wrdreg s24  }
0xaf: {  	[dreg:$0x3] =	wrdreg s2  }
0xb0: {  	[dreg:$0x4] =	wrdreg $0x0  }
0xb1: {  	[dreg:$0x5] =	wrdreg $0x9  }
0xb2: {  	_ =	task.clear_ibuf [dreg:s7], $0x6FFFF;
	_ =	strace $0x90000046  }
0xb3: {  	s29 =	simm.s32 $0x9;
	_ =	strace $0x80000048  }
0xb4: {  	_ =	swait.ge [sflag:s29], $0x1  }
0xb5: {  	[sflag:s29] =	ssyncadd.s32 $0xFFFFFFFF  }
0xb6: {  	_ =	strace $0x90000048  }
0xb7: {  	_ =	sfence  }
0xb8: {  	s30 =	sld [smem:$0x0];
	_ =	sdelay $0x2  }
0xb9: {  	s31 =	sshll.u32 s1, $0xD;
	s1 =	sshrl.u32 s1, $0x2  }
0xba: {  	s3 =	sand.u32 $0x4000, s31;
	s1 =	sadd.s32 s1, s30  }
0xbb: {  	s0 =	sor.u32 s3, s0;
	s1 =	sshll.u32 s1, $0x11  }
0xbc: {  	s0 =	sor.u32 s1, s0  }
0xbd: {  	s0 =	sadd.s32 $0x8F2B, s0  }
0xbe: {  	[sflag:s0] =	ssyncadd.remote.s32 $0x1  }
0xbf: {  	_ =	sfence.sel $0xFFFF  }
0xc0: {  	[dreg:$0x0] =	wrdreg $0xFFFFFFFF;
	(pc) =	sbr.abs _section_cstart, $3  }
0xc1: {  	[dreg:$0x1] =	wrdreg $0xFFFFFFFF  }
0xc2: {  	_ =	task.clear_ibuf [dreg:s7], $0x2FFFF;
	_ =	strace $0x9FFFFFFF  }
0xc3: {  	(tm) =	ssettm $0x7FFFFFFF  }
tec
execute0_lowered:
.L_overlay_start_1:
0x0: {  	(tag) =	ssettag $0x1  }
0x1: {  	s5 =	rddreg [dreg:$0x0]  }
0x2: {  	s1 =	rddreg [dreg:$0x1];
	s0 =	stileid.u32  }
0x3: {  	s2 =	srdreg.scid;
	s3 =	rddreg [dreg:$0x2];
	s4 =	simm.s32 $0x0  }
0x4: {  	s14 =	simm.s32 $0x80;
	s15 =	simm.s32 $0x0;
	s6 =	smul.u32 $0xA00, s0  }
0x5: {  	s7 =	smul.u32 $0x14000, s0;
	s8 =	sand.u32 $0x1, s2;
	s2 =	rddreg [dreg:$0x3]  }
0x6: {  	[smem:$0x7FF] =	sst s4;
	s26 =	smul.u32 $0x50000, s0;
	s30 =	sshll.u32 s0, $0x6  }
0x7: {  	s9 =	smul.u32 $0x140000, s8;
	_ =	strace $0x80000047;
	s28 =	ssub.s32 $0x2, s8  }
0x8: {  	s8 =	smul.u32 $0x500, s8;
	s10 =	sadd.s32 s6, s5;
	s29 =	sshrl.u32 s28, $0x1  }
0x9: {  	s25 =	sadd.s32 s7, s9;
	s7 =	sshrl.u32 s7, $0x3;
	s9 =	sshrl.u32 s26, $0x2  }
0xa: {  	s12 =	ssub.s32 s28, s29;
	s31 =	sadd.s32 s8, s10;
	s6 =	sshrl.u32 s25, $0x3  }
0xb: {  	s7 =	sadd.s32 s7, s5;
	s13 =	sadd.s32 s9, s3;
	s8 =	smax.u32 s12, $0x1  }
0xc: {  	s9 =	sadd.s32 $0x1A00, s31;
	s12 =	simm.s32 $0x2880;
	s11 =	sadd.s32 s6, s5  }
0xd: {  	s5 =	sadd.s32 $0xBA00, s7;
	s6 =	sor.u32 $0x1C01, s30;
	s10 =	sshrl.u32 s13, $0x3  }
0xe: {  	s13 =	simm.s32 $0x2800;
	s7 =	sadd.s32 $0x33A00, s11;
	s11 =	simm.s32 $0x1  }
.LBB2_1:
0xf: {  	[spmem:s10], [sflag:s6] =	dma.local [hbm:s5], $0x2800  }
0x10: {  	_ =	swait.ge [sflag:s11], $0x2800  }
0x11: {  	[sflag:s11] =	ssyncset.done $0x0  }
0x12: {  	[sflag:s11] =	ssyncadd.s32 $0xFFFFD800  }
0x13: {  	[tilespmem:s12], [sflag:$0x1] =	stream.linear.gather [hbm4b:s1+s4], $0x4000, $0x38;
	[tilespmem:$0x6880] =	vst v63  }
0x14: {  	_ =	swait.ge [sflag:s11], $0x4000  }
0x15: {  	[sflag:s11] =	ssyncset.done $0x0  }
0x16: {  	[sflag:s11] =	ssyncadd.s32 $0xFFFFC000  }
0x17: {  	s16 =	sadd.s32 $0x0, s9;
	[bflag:$0x0] =	sbarrier.arrive $0xFFFF  }
0x18: {  	[tilespmem:s13], [sflag:$0x1] =	stream.linear.gather [hbm4b:s16+s4], $0x80, $0x38;
	[tilespmem:$0x6880] =	vst v63  }
0x19: {  	_ =	swait.ge [sflag:s11], $0x80  }
0x1a: {  	[sflag:s11] =	ssyncset.done $0x0  }
0x1b: {  	[sflag:s11] =	ssyncadd.s32 $0xFFFFFF80  }
0x1c: {  	[spmem:s3] =	stream.indirect.scatter.add.f32 [tilespmem:s12], [sflag:$0x1], $0x10, s13, s14, $0xb8;
	[tilespmem:$0x6880] =	vst v63  }
0x1d: {  	_ =	swait.ge [sflag:s11], $0x800  }
0x1e: {  	s17 =	simm.s32 $0x20;
	s16 =	simm.s32 $0x10;
	[sflag:s11] =	ssyncset.done $0x0  }
.LBB2_2:
0x1f: {  	s18 =	sadd.s32 s16, s9  }
0x20: {  	[sflag:s11] =	ssyncadd.s32 $0xFFFFF800;
	s16 =	smov.u32 s17;
	s19 =	sadd.s32 $0x10, s17  }
0x21: {  	[tilespmem:s13], [sflag:$0x1] =	stream.linear.gather [hbm4b:s18+s4], $0x80, $0x38;
	[tilespmem:$0x6880] =	vst v63  }
0x22: {  	p0 =	sne.s32 s17, $0x4F0;
	_ =	swait.ge [sflag:s11], $0x80  }
.Ltmp0:
0x23: {  	[sflag:s11] =	ssyncset.done $0x0;
	(pc) =	sbr.rel @p0 .LBB2_2-.Ltmp0, $4  }
0x24: {  	[sflag:s11] =	ssyncadd.s32 $0xFFFFFF80  }
0x25: {  	[spmem:s3] =	stream.indirect.scatter.add.f32 [tilespmem:s12], [sflag:$0x1], $0x10, s13, s14, $0xb8;
	[tilespmem:$0x6880] =	vst v63  }
0x26: {  	_ =	swait.ge [sflag:s11], $0x800  }
0x27: {  	s17 =	smov.u32 s19;
	[sflag:s11] =	ssyncset.done $0x0  }
0x28: {  	s16 =	sadd.s32 s16, s9;
	[sflag:s11] =	ssyncadd.s32 $0xFFFFF800  }
0x29: {  	[tilespmem:s13], [sflag:$0x1] =	stream.linear.gather [hbm4b:s16+s4], $0x80, $0x38;
	[tilespmem:$0x6880] =	vst v63  }
0x2a: {  	_ =	swait.ge [sflag:s11], $0x80  }
0x2b: {  	[sflag:s11] =	ssyncset.done $0x0  }
0x2c: {  	[sflag:s11] =	ssyncadd.s32 $0xFFFFFF80  }
0x2d: {  	[spmem:s3] =	stream.indirect.scatter.add.f32 [tilespmem:s12], [sflag:$0x1], $0x10, s13, s14, $0xb8;
	[tilespmem:$0x6880] =	vst v63  }
0x2e: {  	_ =	swait.ge [sflag:s11], $0x800  }
0x2f: {  	s15 =	sadd.s32 $0x1, s15;
	[sflag:s11] =	ssyncset.done $0x0  }
0x30: {  	p0 =	sne.s32 s15, s8;
	[sflag:s11] =	ssyncadd.s32 $0xFFFFF800  }
.Ltmp1:
0x31: {  	[bflag:$0x0] =	sbarrier.arrive $0xFFFF;
	(pc) =	sbr.rel @p0 .LBB2_1-.Ltmp1, $4  }
0x32: {  	[hbm:s7], [sflag:s6] =	dma.local [spmem:s10], $0x2800  }
0x33: {  	_ =	swait.ge [sflag:s11], $0x2800  }
0x34: {  	[sflag:s11] =	ssyncset.done $0x0  }
0x35: {  	[sflag:s11] =	ssyncadd.s32 $0xFFFFD800  }
0x36: {  	_ =	sfence.sel $0x180000  }
0x37: {  	[bflag:$0x0] =	sbarrier.arrive $0xFFFF  }
0x38: {  	p0 =	sne.s32 s0, $0x0;
	_ =	strace $0x90000047  }
0x39: {  	s0 =	sadd.s32 @!p0 $0x100000, s2;
	[bflag:$0x2] =	sbarrier.arrive $0xFFFF  }
0x3a: {  	[sflag:s0] =	ssyncadd.tile.s32 @!p0 $0x1;
	_ =	shalt  }
.Lfunc_end2:
_tile_overlayer_lowered:
.L_overlay_start_2:
0x3b: {  	(tag) =	ssettag $0x2  }
0x3c: {  	s0 =	rddreg [dreg:$0x0];
	s2 =	stileid.u32  }
0x3d: {  	s1 =	rddreg [dreg:$0x1];
	p0 =	sne.s32 s2, $0x0  }
0x3e: {  	s3 =	rddreg [dreg:$0x2];
	[bflag:$0x3] =	sbarrier.arrive $0xFFFF;
	s2 =	simm.s32 @!p0 $0x1C01  }
0x3f: {  	[timem:s3], [sflag:s2] =	dma.local @!p0 [hbm:s0], s1  }
0x40: {  	s0 =	simm.s32 @!p0 $0x1  }
0x41: {  	_ =	swait.ge @!p0 [sflag:s0], s1  }
0x42: {  	s1 =	ssub.s32 @!p0 $0x0, s1;
	[sflag:s0] =	ssyncset.done @!p0 $0x0  }
0x43: {  	[sflag:s0] =	ssyncadd.s32 @!p0 s1  }
0x44: {  	[bflag:$0x3] =	sbarrier.arrive $0xFFFF  }
0x45: {  	_ =	shalt  }

// kernel: kernel.9.cloned.1.call-start
scs
__scs_entry_jumppad:
0x0: {  	(pc) =	sbr.rel $0x88, $3  }
0x1: {  	(tag) =	ssettag $0x0;
	lr =	simm.s32 $0x1  }
0x2: {  	[smem:$0x3F97] =	sst lr;
	_ =	strace $0xD0000000  }
0x3: {  	_ = 	snop  }
0x4: {  	_ = 	snop  }
0x5: {  	_ = 	snop  }
0x6: {  	_ = 	snop  }
0x7: {  	_ = 	snop  }
__scs_overlays_trampoline_lowered:
0x8: {  	[smem:$0x3FA6] =	sst s0  }
0x9: {  	[smem:$0x3FA7] =	sst s1  }
0xa: {  	[smem:$0x3FA8] =	sst s2  }
0xb: {  	[smem:$0x3FA9] =	sst s3  }
0xc: {  	[smem:$0x3FAA] =	sst s4  }
0xd: {  	[smem:$0x3FAB] =	sst s5  }
0xe: {  	[smem:$0x3FAC] =	sst s6  }
0xf: {  	[smem:$0x3FAD] =	sst s7  }
0x10: {  	[smem:$0x3FAE] =	sst s8  }
0x11: {  	[smem:$0x3FAF] =	sst s9;
	s0 =	simm.s32 @!p0 $0x0  }
0x12: {  	s1 =	sld [smem:$0x3F95];
	s0 =	simm.s32 @p0 $0x1  }
0x13: {  	[smem:$0x3FB0] =	sst s0;
	s0 =	simm.s32 @!p1 $0x0  }
0x14: {  	s2 =	sld [smem:$0x3F94];
	s0 =	simm.s32 @p1 $0x1  }
0x15: {  	[smem:$0x3FB1] =	sst s0;
	s0 =	simm.s32 @!p2 $0x0  }
0x16: {  	s3 =	sld [smem:$0x3FDB];
	s0 =	simm.s32 @p2 $0x1  }
0x17: {  	s4 =	simm.s32 $0x1BF5;
	[smem:$0x3FB3] =	sst s0  }
0x18: {  	s0 =	sld [smem:$0x3F96];
	_ =	swait.ge [sflag:s4], $0x0  }
0x19: {  	s7 =	sld [smem:$0x3F97]  }
0x1a: {  	s8 =	sadd.s32 $0xFFFFE003, lr  }
0x1b: {  	s9 =	sadd.s32 $0xFFFFFEF7, lr;
	s5 =	simm.s32 $0xFFFFFFFF;
	p2 =	slt.u32 s8, $0xFFFFF086  }
0x1c: {  	p1 =	slt.u32 s9, $0xF7A;
	s5 =	simm.s32 @!p2 $0x0  }
0x1d: {  	s5 =	simm.s32 @p1 $0x1;
	p0 =	seq.s32 s7, s2  }
0x1e: {  	s7 =	smul.u32 @!p0 $0xF7A, s2;
	p2 =	seq.s32 @!p0 s5, $0x0  }
0x1f: {  	s9 =	smul.u32 $0xF7A, s1;
	s8 =	simm.s32 @!p0 $0x1BF5;
	p2 =	por !p2, p0  }
0x20: {  	[sflag:s8] =	ssyncset.s32 @!p0 $0xFFFFF086;
	s6 =	sadd.s32 @!p0 s3, s7;
	s7 =	simm.s32 @!p0 $0x108  }
0x21: {  	s3 =	sadd.s32 s3, s9;
	s6 =	sadd.s32 @!p0 $0x88, s6;
	s7 =	simm.s32 @p2 $0x1082  }
0x22: {  	[simem:s7], [sflag:s8] =	dma.local @!p0 [hbm:s6], $0xF7A  }
0x23: {  	s9 =	sor.u32 $0xD0000000, s2;
	s6 =	simm.s32 $0x108;
	_ =	swait.ge @!p0 [sflag:s8], $0x0  }
0x24: {  	s3 =	sadd.s32 $0x88, s3;
	s6 =	simm.s32 @!p1 $0x1082;
	[sflag:s4] =	ssyncset.s32 $0xFFFFF086  }
0x25: {  	[simem:s6], [sflag:s4] =	dma.local [hbm:s3], $0xF7A  }
0x26: {  	[smem:$0x3F97] =	sst s1;
	(tag) =	ssettag s2;
	_ =	strace s9  }
0x27: {  	s1 =	sld [smem:$0x3FA7]  }
0x28: {  	s2 =	sld [smem:$0x3FA8]  }
0x29: {  	s4 =	sld [smem:$0x3FAA]  }
0x2a: {  	p0 =	seq.s32 s5, $0x0;
	s5 =	sld [smem:$0x3FAB]  }
0x2b: {  	s6 =	sld [smem:$0x3FAC]  }
0x2c: {  	s7 =	sld [smem:$0x3FAD]  }
0x2d: {  	s3 =	simm.s32 $0x108;
	s8 =	sld [smem:$0x3FAE]  }
0x2e: {  	s3 =	simm.s32 @!p0 $0x1082;
	s9 =	sld [smem:$0x3FAF]  }
0x2f: {  	lr =	sadd.s32 s0, s3;
	s0 =	sld [smem:$0x3FA6]  }
0x30: {  	s3 =	sld [smem:$0x3FA9]  }
0x31: {  	[smem:$0x3FB2] =	sst s10  }
0x32: {  	s10 =	sld [smem:$0x3FB0];
	_ =	sdelay $0x3  }
0x33: {  	p0 =	seq.s32 s10, $0x1;
	s10 =	sld [smem:$0x3FB2];
	_ =	sdelay $0x3  }
0x34: {  	[smem:$0x3FB2] =	sst s10  }
0x35: {  	s10 =	sld [smem:$0x3FB1];
	_ =	sdelay $0x3  }
0x36: {  	p1 =	seq.s32 s10, $0x1;
	s10 =	sld [smem:$0x3FB2];
	_ =	sdelay $0x3  }
0x37: {  	[smem:$0x3FB2] =	sst s10  }
0x38: {  	s10 =	sld [smem:$0x3FB3]  }
0x39: {  	_ = 	snop;
	(pc) =	sbr.ind lr, $3  }
0x3a: {  	_ = 	snop  }
0x3b: {  	_ = 	snop  }
0x3c: {  	p2 =	seq.s32 s10, $0x1;
	s10 =	sld [smem:$0x3FB2]  }
0x3d: {  	_ =	shalt  }
0x3e: {  	_ =	shalt  }
0x3f: {  	_ =	shalt  }
0x40: {  	_ =	shalt  }
0x41: {  	_ =	shalt  }
0x42: {  	_ =	shalt  }
0x43: {  	_ =	shalt  }
0x44: {  	_ =	shalt  }
0x45: {  	_ =	shalt  }
0x46: {  	_ =	shalt  }
0x47: {  	_ =	shalt  }
0x48: {  	_ =	shalt  }
0x49: {  	_ =	shalt  }
0x4a: {  	_ =	shalt  }
0x4b: {  	_ =	shalt  }
0x4c: {  	_ =	shalt  }
0x4d: {  	_ =	shalt  }
0x4e: {  	_ =	shalt  }
0x4f: {  	_ =	shalt  }
0x50: {  	_ =	shalt  }
0x51: {  	_ =	shalt  }
0x52: {  	_ =	shalt  }
0x53: {  	_ =	shalt  }
0x54: {  	_ =	shalt  }
0x55: {  	_ =	shalt  }
0x56: {  	_ =	shalt  }
0x57: {  	_ =	shalt  }
0x58: {  	_ =	shalt  }
0x59: {  	_ =	shalt  }
0x5a: {  	_ =	shalt  }
0x5b: {  	_ =	shalt  }
0x5c: {  	_ =	shalt  }
0x5d: {  	_ =	shalt  }
0x5e: {  	_ =	shalt  }
0x5f: {  	_ =	shalt  }
0x60: {  	_ =	shalt  }
0x61: {  	_ =	shalt  }
0x62: {  	_ =	shalt  }
0x63: {  	_ =	shalt  }
0x64: {  	_ =	shalt  }
0x65: {  	_ =	shalt  }
0x66: {  	_ =	shalt  }
0x67: {  	_ =	shalt  }
0x68: {  	_ =	shalt  }
0x69: {  	_ =	shalt  }
0x6a: {  	_ =	shalt  }
0x6b: {  	_ =	shalt  }
0x6c: {  	_ =	shalt  }
0x6d: {  	_ =	shalt  }
0x6e: {  	_ =	shalt  }
0x6f: {  	_ =	shalt  }
0x70: {  	_ =	shalt  }
0x71: {  	_ =	shalt  }
0x72: {  	_ =	shalt  }
0x73: {  	_ =	shalt  }
0x74: {  	_ =	shalt  }
0x75: {  	_ =	shalt  }
0x76: {  	_ =	shalt  }
0x77: {  	_ =	shalt  }
0x78: {  	_ =	shalt  }
0x79: {  	_ =	shalt  }
0x7a: {  	_ =	shalt  }
0x7b: {  	_ =	shalt  }
0x7c: {  	_ =	shalt  }
0x7d: {  	_ =	shalt  }
0x7e: {  	_ =	shalt  }
0x7f: {  	_ =	shalt  }
0x80: {  	_ =	shalt  }
0x81: {  	_ =	shalt  }
0x82: {  	_ =	shalt  }
0x83: {  	_ =	shalt  }
0x84: {  	_ =	shalt  }
0x85: {  	_ =	shalt  }
0x86: {  	_ =	shalt  }
0x87: {  	_ =	shalt  }
.Lfunc_end0:
.L_simem_size_0:
called_computation.1_lowered:
.L_overlay_start_0:
0x88: {  	s2 =	sld [smem:$0x3FD9]  }
0x89: {  	s3 =	sld [smem:$0x3FFE];
	_ =	sdelay $0x1  }
0x8a: {  	s1 =	srdreg.scid  }
0x8b: {  	s0 =	sand.u32 $0x1, s1  }
0x8c: {  	s16 =	sshll.u32 s0, $0xA;
	s2 =	sadd.s32 s3, s2  }
0x8d: {  	s2 =	sadd.s32 s2, s16  }
0x8e: {  	[smem:$0x3FBE] =	sst s2  }
0x8f: {  	_ = 	snop  }
0x90: {  	(tm) =	ssettm $0x1  }
0x91: {  	s17 =	sld [smem:$0x3FFB];
	_ =	sdelay $0x3  }
0x92: {  	_ =	strace s17  }
0x93: {  	s2 =	sld [smem:$0x3FFC];
	_ =	sdelay $0x3  }
0x94: {  	_ =	strace s2  }
0x95: {  	s2 =	sld [smem:$0x3FFD];
	_ =	sdelay $0x3  }
0x96: {  	_ =	strace s2  }
0x97: {  	_ =	strace $0x8FFFFFFF  }
0x98: {  	s18 =	sld [smem:$0x3FDB];
	_ =	sdelay $0x1  }
0x99: {  	s19 =	simm.s32 $_scs_section_size  }
0x9a: {  	s4 =	simm.s32 $_size__tile_overlayer_lowered;
	s5 =	simm.s32 $_tile_overlayer_lowered  }
0x9b: {  	s22 =	simm.s32 $0x1BFF;
	s21 =	sshll.u32 s5, $0x1;
	s2 =	sadd.s32 s19, s18  }
0x9c: {  	s6 =	simm.s32 $0x0;
	s20 =	sshll.u32 s4, $0x1;
	s4 =	sadd.s32 s21, s2  }
0x9d: {  	[timem:s6], [sflag:s22] =	dma.local [hbm:s4], s20  }
0x9e: {  	_ =	swait.ge [sflag:s22], s20  }
0x9f: {  	s3 =	ssub.s32 $0x0, s20;
	[sflag:s22] =	ssyncset.done $0x0  }
0xa0: {  	[sflag:s22] =	ssyncadd.s32 s3;
	_ =	sdelay $0x1  }
0xa1: {  	s23 =	simm.s32 $0x1B8B  }
0xa2: {  	_ =	swait.ge [sflag:s23], $0x1  }
0xa3: {  	[sflag:s23] =	ssyncset.done $0x0  }
0xa4: {  	s25 =	simm.s32 $0x1B8E;
	s24 =	sld [smem:$0x3FFE];
	[sflag:s23] =	ssyncadd.s32 $0xFFFFFFFF  }
0xa5: {  	s26 =	simm.s32 $execute0_lowered;
	[smem:$0x3FD2] =	sst s25  }
0xa6: {  	s4 =	sshll.u32 s26, $0x1;
	_ =	strace $0x80000049;
	[dreg:$0x1] =	wrdreg $0xFFFFFFFF  }
0xa7: {  	s28 =	simm.s32 $_size_execute0_lowered;
	s2 =	sadd.s32 s2, s4;
	[dreg:$0x0] =	wrdreg $0x0  }
0xa8: {  	s4 =	sshll.u32 s28, $0x1;
	[dreg:$0x2] =	wrdreg s2  }
0xa9: {  	[dreg:$0x3] =	wrdreg s4  }
0xaa: {  	[dreg:$0x4] =	wrdreg $0xC0  }
0xab: {  	_ =	task [dreg:s6], $0x5FFFF  }
0xac: {  	[dreg:$0x1] =	wrdreg $0xFFFFFFFF  }
0xad: {  	[dreg:$0x0] =	wrdreg $0x60  }
0xae: {  	[dreg:$0x2] =	wrdreg s24  }
0xaf: {  	[dreg:$0x3] =	wrdreg $0x0  }
0xb0: {  	[dreg:$0x4] =	wrdreg $0x9  }
0xb1: {  	_ =	task.clear_ibuf [dreg:s6], $0x5FFFF;
	_ =	strace $0x90000049  }
0xb2: {  	s29 =	simm.s32 $0x9;
	_ =	strace $0x8000004B  }
0xb3: {  	_ =	swait.ge [sflag:s29], $0x1  }
0xb4: {  	[sflag:s29] =	ssyncadd.s32 $0xFFFFFFFF  }
0xb5: {  	_ =	strace $0x9000004B  }
0xb6: {  	_ =	sfence  }
0xb7: {  	s30 =	sld [smem:$0x0];
	_ =	sdelay $0x2  }
0xb8: {  	s31 =	sshll.u32 s1, $0xD;
	s1 =	sshrl.u32 s1, $0x2  }
0xb9: {  	s3 =	sand.u32 $0x4000, s31;
	s1 =	sadd.s32 s1, s30  }
0xba: {  	s0 =	sor.u32 s3, s0;
	s1 =	sshll.u32 s1, $0x11  }
0xbb: {  	s0 =	sor.u32 s1, s0  }
0xbc: {  	s0 =	sadd.s32 $0x8F2B, s0  }
0xbd: {  	[sflag:s0] =	ssyncadd.remote.s32 $0x1  }
0xbe: {  	_ =	sfence.sel $0xFFFF  }
0xbf: {  	[dreg:$0x0] =	wrdreg $0xFFFFFFFF;
	(pc) =	sbr.abs _section_cstart, $3  }
0xc0: {  	[dreg:$0x1] =	wrdreg $0xFFFFFFFF  }
0xc1: {  	_ =	task.clear_ibuf [dreg:s6], $0x2FFFF;
	_ =	strace $0x9FFFFFFF  }
0xc2: {  	(tm) =	ssettm $0x7FFFFFFF  }
0xc3: {  	_ =	shalt  }
tec
execute0_lowered:
.L_overlay_start_1:
0x0: {  	(tag) =	ssettag $0x1  }
0x1: {  	s5 =	rddreg [dreg:$0x0]  }
0x2: {  	s2 =	rddreg [dreg:$0x1]  }
0x3: {  	s0 =	rddreg [dreg:$0x2]  }
0x4: {  	s1 =	stileid.u32;
	s6 =	srdreg.scid  }
0x5: {  	s3 =	simm.s32 $0x0;
	s14 =	simm.s32 $0x14080;
	s4 =	smul.u32 $0xA00, s1  }
0x6: {  	s15 =	simm.s32 $0x80;
	s16 =	simm.s32 $0x14100;
	s7 =	smul.u32 $0x14000, s1  }
0x7: {  	s17 =	simm.s32 $0x0;
	s6 =	sand.u32 $0x1, s6;
	s12 =	smul.u32 $0x50000, s1  }
0x8: {  	[smem:$0x7FF] =	sst s3;
	s29 =	sshll.u32 s1, $0x6;
	s8 =	smul.u32 $0x140000, s6  }
0x9: {  	_ =	strace $0x8000004A;
	s26 =	ssub.s32 $0x2, s6;
	s30 =	smul.u32 $0x500, s6  }
0xa: {  	s6 =	sor.u32 $0x1C01, s29;
	s9 =	sadd.s32 s4, s5;
	s4 =	sadd.s32 $0xBA00, s5  }
0xb: {  	s10 =	sshrl.u32 s7, $0x3;
	s11 =	sshrl.u32 s26, $0x1;
	s28 =	sshrl.u32 s12, $0x2  }
0xc: {  	s12 =	simm.s32 $0x1;
	s7 =	sadd.s32 s7, s8;
	s10 =	sadd.s32 s10, s5  }
0xd: {  	s8 =	ssub.s32 s26, s11;
	s13 =	sadd.s32 s28, s2;
	s31 =	sadd.s32 s30, s9  }
0xe: {  	s7 =	sshrl.u32 s7, $0x3;
	s8 =	smax.u32 s8, $0x1;
	s9 =	sadd.s32 $0x1A00, s31  }
0xf: {  	s11 =	sshrl.u32 s13, $0x3;
	s13 =	simm.s32 $0x14000;
	s7 =	sadd.s32 s7, s5  }
0x10: {  	s5 =	sadd.s32 $0x8DA00, s10;
	s10 =	sadd.s32 $0x83A00, s31;
	s7 =	sadd.s32 $0xB5A00, s7  }
.LBB2_1:
0x11: {  	[spmem:s11], [sflag:s6] =	dma.local [hbm:s5], $0x2800  }
0x12: {  	_ =	swait.ge [sflag:s12], $0x2800  }
0x13: {  	[sflag:s12] =	ssyncset.done $0x0  }
0x14: {  	[sflag:s12] =	ssyncadd.s32 $0xFFFFD800  }
0x15: {  	s18 =	sadd.s32 $0x0, s10;
	[bflag:$0x0] =	sbarrier.arrive $0xFFFF  }
0x16: {  	[tilespmem:s13], [sflag:$0x1] =	stream.linear.gather [hbm4b:s18+s3], $0x80, $0x38;
	[tilespmem:$0x18100] =	vst v63  }
0x17: {  	_ =	swait.ge [sflag:s12], $0x80  }
0x18: {  	[sflag:s12] =	ssyncset.done $0x0  }
0x19: {  	s31 =	sadd.s32 $0x0, s9;
	[sflag:s12] =	ssyncadd.s32 $0xFFFFFF80  }
0x1a: {  	[tilespmem:s14], [sflag:$0x1] =	stream.linear.gather [hbm4b:s31+s3], $0x80, $0x38;
	[tilespmem:$0x18100] =	vst v63  }
0x1b: {  	_ =	swait.ge [sflag:s12], $0x80  }
0x1c: {  	[sflag:s12] =	ssyncset.done $0x0  }
0x1d: {  	[sflag:s12] =	ssyncadd.s32 $0xFFFFFF80  }
0x1e: {  	[tilespmem:s16], [sflag:$0x1] =	stream.indirect.gather [hbm4b:s4+s15], $0x80, s13, s15, $0xb8;
	[tilespmem:$0x18100] =	vst v63  }
0x1f: {  	_ =	swait.ge [sflag:s12], $0x4000  }
0x20: {  	[sflag:s12] =	ssyncset.done $0x0  }
0x21: {  	[sflag:s12] =	ssyncadd.s32 $0xFFFFC000  }
0x22: {  	[spmem:s2] =	stream.indirect.scatter.add.f32 [tilespmem:s16], [sflag:$0x1], $0x80, s14, s15, $0xb8;
	[tilespmem:$0x18100] =	vst v63  }
0x23: {  	_ =	swait.ge [sflag:s12], $0x4000  }
0x24: {  	s19 =	simm.s32 $0x20;
	s18 =	simm.s32 $0x10;
	[sflag:s12] =	ssyncset.done $0x0  }
.LBB2_2:
0x25: {  	s20 =	sadd.s32 s18, s10  }
0x26: {  	[sflag:s12] =	ssyncadd.s32 $0xFFFFC000;
	s21 =	smov.u32 s19;
	s22 =	sadd.s32 $0x10, s19  }
0x27: {  	[tilespmem:s13], [sflag:$0x1] =	stream.linear.gather [hbm4b:s20+s3], $0x80, $0x38;
	[tilespmem:$0x18100] =	vst v63  }
0x28: {  	p0 =	sne.s32 s19, $0x4F0;
	_ =	swait.ge [sflag:s12], $0x80  }
0x29: {  	[sflag:s12] =	ssyncset.done $0x0  }
0x2a: {  	s19 =	sadd.s32 s18, s9;
	s18 =	smov.u32 s21;
	[sflag:s12] =	ssyncadd.s32 $0xFFFFFF80  }
0x2b: {  	[tilespmem:s14], [sflag:$0x1] =	stream.linear.gather [hbm4b:s19+s3], $0x80, $0x38;
	[tilespmem:$0x18100] =	vst v63  }
0x2c: {  	_ =	swait.ge [sflag:s12], $0x80  }
0x2d: {  	[sflag:s12] =	ssyncset.done $0x0  }
0x2e: {  	[sflag:s12] =	ssyncadd.s32 $0xFFFFFF80  }
0x2f: {  	[tilespmem:s16], [sflag:$0x1] =	stream.indirect.gather [hbm4b:s4+s15], $0x80, s13, s15, $0xb8;
	[tilespmem:$0x18100] =	vst v63  }
0x30: {  	_ =	swait.ge [sflag:s12], $0x4000  }
.Ltmp0:
0x31: {  	[sflag:s12] =	ssyncset.done $0x0;
	(pc) =	sbr.rel @p0 .LBB2_2-.Ltmp0, $4  }
0x32: {  	[sflag:s12] =	ssyncadd.s32 $0xFFFFC000  }
0x33: {  	[spmem:s2] =	stream.indirect.scatter.add.f32 [tilespmem:s16], [sflag:$0x1], $0x80, s14, s15, $0xb8;
	[tilespmem:$0x18100] =	vst v63  }
0x34: {  	_ =	swait.ge [sflag:s12], $0x4000  }
0x35: {  	s19 =	smov.u32 s22;
	[sflag:s12] =	ssyncset.done $0x0  }
0x36: {  	s19 =	sadd.s32 s18, s10;
	[sflag:s12] =	ssyncadd.s32 $0xFFFFC000  }
0x37: {  	[tilespmem:s13], [sflag:$0x1] =	stream.linear.gather [hbm4b:s19+s3], $0x80, $0x38;
	[tilespmem:$0x18100] =	vst v63  }
0x38: {  	_ =	swait.ge [sflag:s12], $0x80  }
0x39: {  	[sflag:s12] =	ssyncset.done $0x0  }
0x3a: {  	s31 =	sadd.s32 s18, s9;
	[sflag:s12] =	ssyncadd.s32 $0xFFFFFF80  }
0x3b: {  	[tilespmem:s14], [sflag:$0x1] =	stream.linear.gather [hbm4b:s31+s3], $0x80, $0x38;
	[tilespmem:$0x18100] =	vst v63  }
0x3c: {  	_ =	swait.ge [sflag:s12], $0x80  }
0x3d: {  	[sflag:s12] =	ssyncset.done $0x0  }
0x3e: {  	[sflag:s12] =	ssyncadd.s32 $0xFFFFFF80  }
0x3f: {  	[tilespmem:s16], [sflag:$0x1] =	stream.indirect.gather [hbm4b:s4+s15], $0x80, s13, s15, $0xb8;
	[tilespmem:$0x18100] =	vst v63  }
0x40: {  	_ =	swait.ge [sflag:s12], $0x4000  }
0x41: {  	[sflag:s12] =	ssyncset.done $0x0  }
0x42: {  	[sflag:s12] =	ssyncadd.s32 $0xFFFFC000  }
0x43: {  	[spmem:s2] =	stream.indirect.scatter.add.f32 [tilespmem:s16], [sflag:$0x1], $0x80, s14, s15, $0xb8;
	[tilespmem:$0x18100] =	vst v63  }
0x44: {  	_ =	swait.ge [sflag:s12], $0x4000  }
0x45: {  	s17 =	sadd.s32 $0x1, s17;
	[sflag:s12] =	ssyncset.done $0x0  }
0x46: {  	p0 =	sne.s32 s17, s8;
	[sflag:s12] =	ssyncadd.s32 $0xFFFFC000  }
.Ltmp1:
0x47: {  	[bflag:$0x0] =	sbarrier.arrive $0xFFFF;
	(pc) =	sbr.rel @p0 .LBB2_1-.Ltmp1, $4  }
0x48: {  	[hbm:s7], [sflag:s6] =	dma.local [spmem:s11], $0x2800  }
0x49: {  	_ =	swait.ge [sflag:s12], $0x2800  }
0x4a: {  	[sflag:s12] =	ssyncset.done $0x0  }
0x4b: {  	[sflag:s12] =	ssyncadd.s32 $0xFFFFD800  }
0x4c: {  	_ =	sfence.sel $0x180000  }
0x4d: {  	[bflag:$0x0] =	sbarrier.arrive $0xFFFF  }
0x4e: {  	p0 =	sne.s32 s1, $0x0;
	_ =	strace $0x9000004A  }
0x4f: {  	s0 =	sadd.s32 @!p0 $0x100000, s0;
	[bflag:$0x2] =	sbarrier.arrive $0xFFFF  }
0x50: {  	[sflag:s0] =	ssyncadd.tile.s32 @!p0 $0x1;
	_ =	shalt  }
.Lfunc_end2:
_tile_overlayer_lowered:
.L_overlay_start_2:
0x51: {  	(tag) =	ssettag $0x2  }
0x52: {  	s0 =	rddreg [dreg:$0x0];
	s2 =	stileid.u32  }
0x53: {  	s1 =	rddreg [dreg:$0x1];
	p0 =	sne.s32 s2, $0x0  }
0x54: {  	s3 =	rddreg [dreg:$0x2];
	[bflag:$0x3] =	sbarrier.arrive $0xFFFF;
	s2 =	simm.s32 @!p0 $0x1C01  }
0x55: {  	[timem:s3], [sflag:s2] =	dma.local @!p0 [hbm:s0], s1  }
0x56: {  	s0 =	simm.s32 @!p0 $0x1  }
0x57: {  	_ =	swait.ge @!p0 [sflag:s0], s1  }
0x58: {  	s1 =	ssub.s32 @!p0 $0x0, s1;
	[sflag:s0] =	ssyncset.done @!p0 $0x0  }
0x59: {  	[sflag:s0] =	ssyncadd.s32 @!p0 s1  }
0x5a: {  	[bflag:$0x3] =	sbarrier.arrive $0xFFFF  }
0x5b: {  	_ =	shalt  }

</sc_bundles>
